<compile_context>
chip_gen: v7x
topology: tpu7x:2x2x1
jax: 0.10.2.dev20260603
libtpu: 0.0.44.dev20260713+nightly
codegen_flags: <defaults>
</compile_context>

<pallas_src>
import functools

import jax
import jax.numpy as jnp
from jax import lax
from jax.experimental import pallas as pl
from jax.experimental.pallas import tpu as pltpu
from jax.experimental.pallas import tpu_sc as plsc

NC = 2
NS = 16
NW = NC * NS
LANES = 16


def _edge_kernels(n_nodes, epad, full_groups, epw):
    N = n_nodes
    TBL = N * N
    ROW = LANES
    PADS = epad - epw
    PGROUPS = PADS // LANES
    NCHUNK = 4
    CH = epad // NCHUNK
    CHG = CH // LANES

    mesh = plsc.VectorSubcoreMesh(core_axis_name="c", subcore_axis_name="s")

    def fill_keys(es_v, ed_v, kref, g_lo, g_hi, scale):
        def g_body(g, carry):
            a = es_v[pl.ds(g * LANES, LANES)]
            b = ed_v[pl.ds(g * LANES, LANES)]
            lo = jnp.minimum(a, b)
            hi = jnp.maximum(a, b)
            kref[pl.ds((g - g_lo) * LANES, LANES)] = (lo * N + hi) * scale
            return carry

        lax.fori_loop(g_lo, g_hi, g_body, None)

    def fill_pad_keys(wid, kref, g_lo, scale):
        iota = lax.iota(jnp.int32, LANES)
        for j in range(PGROUPS):
            col = (full_groups + j - g_lo) * LANES
            p0 = wid * PADS + j * LANES + 1
            kref[pl.ds(col, LANES)] = ((iota + p0) * N) * scale

    @functools.partial(
        pl.kernel,
        out_type=jax.ShapeDtypeStruct((TBL, ROW), jnp.int32),
        mesh=mesh,
        scratch_types=[
            pltpu.VMEM((epad,), jnp.int32),
            pltpu.VMEM((epad,), jnp.int32),
            [pltpu.VMEM((CH,), jnp.int32) for _ in range(NCHUNK)],
            [pltpu.VMEM((CH, ROW), jnp.int32) for _ in range(2)],
            [pltpu.SemaphoreType.DMA for _ in range(2)],
        ],
        compiler_params=pltpu.CompilerParams(
            needs_layout_passes=False, use_tc_tiling_on_sc=False),
    )
    def scatter_ids(edge_hbm, table_out,
                    es_v, ed_v, keys, wides, sems):
        c = lax.axis_index("c")
        s = lax.axis_index("s")
        wid = s * NC + c
        pltpu.sync_copy(edge_hbm.at[pl.ds(wid * epw, epw)],
                        es_v.at[pl.ds(0, epw)])
        pltpu.sync_copy(edge_hbm.at[pl.ds(NW * epw + wid * epw, epw)],
                        ed_v.at[pl.ds(0, epw)])

        iota = lax.iota(jnp.int32, LANES)
        zcol = jnp.zeros((LANES,), jnp.int32)
        base_id = wid * epad

        def id_fill(wide_v, chunk_base):
            def body(g, carry):
                ids = base_id + chunk_base + g * LANES + iota
                plsc.store_scatter(wide_v, [g * LANES + iota, zcol], ids)
                return carry
            lax.fori_loop(0, CHG, body, None)

        pend = [None, None]
        for k in range(NCHUNK):
            g_lo = k * CHG
            g_hi = min((k + 1) * CHG, full_groups)
            fill_keys(es_v, ed_v, keys[k], g_lo, g_hi, 1)
            if g_hi < (k + 1) * CHG:
                fill_pad_keys(wid, keys[k], g_lo, 1)
            b = k % 2
            if pend[b] is not None:
                pend[b].wait()
            id_fill(wides[b], k * CH)
            pend[b] = pltpu.async_copy(wides[b], table_out.at[keys[k]],
                                       sems[b])
        pend[0].wait()
        pend[1].wait()

    NPAD = ((N + 10 * LANES * NS - 1) // (10 * LANES * NS)) * (10 * LANES * NS)

    @functools.partial(
        pl.kernel,
        out_type=jax.ShapeDtypeStruct((NW, NPAD), jnp.float32),
        mesh=mesh,
        scratch_types=[
            pltpu.VMEM((epad,), jnp.int32),
            pltpu.VMEM((epad,), jnp.int32),
            [pltpu.VMEM((CH,), jnp.int32) for _ in range(NCHUNK)],
            pltpu.VMEM((epad,), jnp.int32),
            pltpu.VMEM((NPAD,), jnp.float32),
            [pltpu.SemaphoreType.DMA for _ in range(NCHUNK)],
        ],
        compiler_params=pltpu.CompilerParams(needs_layout_passes=False),
    )
    def count_winners(table_hbm, edge_hbm, deg_out,
                      es_v, ed_v, keys, got_v, deg_l, sems):
        c = lax.axis_index("c")
        s = lax.axis_index("s")
        wid = s * NC + c
        pltpu.sync_copy(edge_hbm.at[pl.ds(wid * epw, epw)],
                        es_v.at[pl.ds(0, epw)])
        pltpu.sync_copy(edge_hbm.at[pl.ds(NW * epw + wid * epw, epw)],
                        ed_v.at[pl.ds(0, epw)])

        gathers = []
        for k in range(NCHUNK):
            g_lo = k * CHG
            g_hi = min((k + 1) * CHG, full_groups)
            fill_keys(es_v, ed_v, keys[k], g_lo, g_hi, LANES)
            if g_hi < (k + 1) * CHG:
                fill_pad_keys(wid, keys[k], g_lo, LANES)
            gathers.append(pltpu.async_copy(
                table_hbm.at[keys[k]], got_v.at[pl.ds(k * CH, CH)], sems[k]))

        zero = jnp.zeros((LANES,), jnp.float32)

        def z_body(i, carry):
            deg_l[pl.ds(i * LANES, LANES)] = zero
            return carry

        lax.fori_loop(0, NPAD // LANES, z_body, None)

        iota = lax.iota(jnp.int32, LANES)
        base_id = wid * epad
        one = jnp.full((LANES,), 1.0, jnp.float32)

        for k in range(NCHUNK):
            gathers[k].wait()
            g_lo = k * CHG
            g_hi = min((k + 1) * CHG, full_groups)

            @functools.partial(plsc.parallel_loop, g_lo, g_hi, unroll=4)
            def _(g):
                sl = pl.ds(g * LANES, LANES)
                myid = base_id + g * LANES + iota
                w = jnp.where(got_v[sl] == myid, one, zero)
                plsc.addupdate_scatter(deg_l, [es_v[sl]], w)
                plsc.addupdate_scatter(deg_l, [ed_v[sl]], w)
        pltpu.sync_copy(deg_l, deg_out.at[wid])

    return scatter_ids, count_winners, NPAD


def _dense_kernel(x_ref, dp_ref, w1_ref, w2_ref, b1_ref, b2_ref,
                  t1_ref, t2_ref, o_ref):
    deg = jnp.sum(dp_ref[...], axis=0)
    sd = jnp.sqrt(deg)
    c1 = jnp.cos(sd * t1_ref[0, 0])[:, None]
    c2 = jnp.cos(sd * t2_ref[0, 0])[:, None]
    h = lax.dot_general(x_ref[...], w1_ref[...], (((1,), (1,)), ((), ())),
                        preferred_element_type=jnp.float32)
    h = c1 * h + b1_ref[...]
    h = jnp.maximum(h, 0.0)
    h = lax.dot_general(h, w2_ref[...], (((1,), (1,)), ((), ())),
                        preferred_element_type=jnp.float32)
    h = c2 * h + b2_ref[...]
    m = jnp.max(h, axis=1, keepdims=True)
    ex = jnp.exp(h - m)
    sm = jnp.sum(ex, axis=1, keepdims=True)
    o_ref[...] = h - m - jnp.log(sm)


def kernel(x, edge_index, W1, b1, t1, W2, b2, t2):
    n = x.shape[0]
    d_in = x.shape[1]
    d_out = W2.shape[0]
    e = edge_index.shape[1]

    epw = e // NW
    assert epw * NW == e and epw % LANES == 0
    epad = ((epw + 127) // 128) * 128
    if epad == epw:
        epad += 128
    full_groups = epw // LANES

    ei = edge_index.astype(jnp.int32).reshape(-1)

    scatter_ids, count_winners, npad = _edge_kernels(n, epad, full_groups, epw)
    table = scatter_ids(ei)
    deg_parts = count_winners(jnp.reshape(table, (-1,)), ei)

    rb = npad // 8
    grid = (npad // rb,)
    out = pl.pallas_call(
        _dense_kernel,
        grid=grid,
        in_specs=[
            pl.BlockSpec((rb, d_in), lambda i: (i, 0)),
            pl.BlockSpec((NW, rb), lambda i: (0, i)),
            pl.BlockSpec(W1.shape, lambda i: (0, 0)),
            pl.BlockSpec(W2.shape, lambda i: (0, 0)),
            pl.BlockSpec((1, d_in), lambda i: (0, 0)),
            pl.BlockSpec((1, d_out), lambda i: (0, 0)),
            pl.BlockSpec((1, 1), lambda i: (0, 0)),
            pl.BlockSpec((1, 1), lambda i: (0, 0)),
        ],
        out_specs=pl.BlockSpec((rb, d_out), lambda i: (i, 0)),
        out_shape=jax.ShapeDtypeStruct((n, d_out), jnp.float32),
    )(x, deg_parts, W1, W2, b1.reshape(1, -1), b2.reshape(1, -1),
      jnp.reshape(t1, (1, 1)), jnp.reshape(t2, (1, 1)))
    return out

# --- scband reference (transcript-rebuilt; emitter-appended) ---
"""Pipeline reference for scband-multi-step-unitary-gcn-53807350284449 (READ-ONLY COPY).

The authoritative reference and input builder live on the scoring server;
editing this copy changes nothing except your own understanding.
"""

import jax, jax.numpy as jnp
import numpy as np
import math

N_NODES = 10000
N_EDGES = 320000
D_IN = 128
D_HID = 128
D_OUT = 128
T1 = 1.0
T2 = 0.5


def setup_inputs(seed: int = 0) -> dict:
    key = jax.random.key(seed)
    ks = jax.random.split(key, 8)
    x = jax.random.normal(ks[0], (N_NODES, D_IN), dtype=jnp.float32)
    src = jax.random.randint(ks[1], (N_EDGES,), 0, N_NODES)
    dst = jax.random.randint(ks[2], (N_EDGES,), 0, N_NODES)
    # avoid self-loops (the torch reference mishandles them; see notes)
    dst = jnp.where(dst == src, (dst + 1) % N_NODES, dst)
    edge_index = jnp.stack([src, dst], axis=0).astype(jnp.int64)
    # xavier_uniform for lin weights (torch Linear weight shape: [out, in])
    l1 = math.sqrt(6.0 / (D_IN + D_HID))
    W1 = jax.random.uniform(ks[3], (D_HID, D_IN), minval=-l1, maxval=l1, dtype=jnp.float32)
    b1 = jnp.zeros((D_HID,), dtype=jnp.float32)
    l2 = math.sqrt(6.0 / (D_HID + D_OUT))
    W2 = jax.random.uniform(ks[4], (D_OUT, D_HID), minval=-l2, maxval=l2, dtype=jnp.float32)
    b2 = jnp.zeros((D_OUT,), dtype=jnp.float32)
    t1 = jnp.float32(T1)
    t2 = jnp.float32(T2)
    return {"x": x, "edge_index": edge_index, "W1": W1, "b1": b1, "t1": t1, "W2": W2, "b2": b2, "t2": t2}


def _unique_neighbor_degree(edge_index, n):
    # degree = number of UNIQUE undirected neighbors per node (matches sorted(set(...)) in torch ref)
    src, dst = edge_index[0], edge_index[1]
    a = jnp.minimum(src, dst)
    b = jnp.maximum(src, dst)
    key_ = a * n + b
    uniq = jnp.unique(key_, size=key_.shape[0], fill_value=-1)
    valid = uniq >= 0
    ua = jnp.where(valid, uniq // n, 0)
    ub = jnp.where(valid, uniq % n, 0)
    w = valid.astype(jnp.float32)
    deg = jnp.zeros((n,), jnp.float32).at[ua].add(w).at[ub].add(w)
    return deg


def reference(x, edge_index, W1, b1, t1, W2, b2, t2):
    # Math note: for each node i the torch module builds the STAR adjacency A_i of
    # node i with its d unique neighbors (only edges incident to i appear), forms
    # G = expm(-1j*A_i*t) (unitary since A_i symmetric => dilation blocks: top-right = 0,
    # top-left = G), and keeps Re(row 0 of G @ x_sub).
    # For a star with d leaves: expm(-1j*A*t) e0 = cos(sqrt(d)*t) e0 - 1j*sin(sqrt(d)*t) u/sqrt(d),
    # so Re(row0) picks ONLY cos(sqrt(d)*t) * x_transformed[i]. This closed form is exact.
    n = x.shape[0]
    deg = _unique_neighbor_degree(edge_index, n)
    sd = jnp.sqrt(deg)
    # layer 1
    h = x @ W1.T
    h = jnp.cos(sd * t1)[:, None] * h + b1
    h = jax.nn.relu(h)  # dropout is identity in eval mode
    # layer 2
    h = h @ W2.T
    h = jnp.cos(sd * t2)[:, None] * h + b2
    return jax.nn.log_softmax(h, axis=1)

if __name__ == "__main__":
    import jax
    _d = setup_inputs()
    print(jax.jit(kernel)(*tuple(_d.values())))

</pallas_src>

<mosaic_0001>
#map = affine_map<(d0, d1) -> (0)>
#map1 = affine_map<(d0, d1) -> (0, 0)>
module attributes {stable_mosaic.version = 14 : i64} {
  func.func @scatter_ids(%arg0: i32, %arg1: i32, %arg2: memref<640000xi32, #tpu.memory_space<hbm>>, %arg3: memref<100000000x16xi32, #tpu.memory_space<hbm>>, %arg4: memref<10112xi32, #tpu.memory_space<vmem>>, %arg5: memref<10112xi32, #tpu.memory_space<vmem>>, %arg6: memref<2528xi32, #tpu.memory_space<vmem>>, %arg7: memref<2528xi32, #tpu.memory_space<vmem>>, %arg8: memref<2528xi32, #tpu.memory_space<vmem>>, %arg9: memref<2528xi32, #tpu.memory_space<vmem>>, %arg10: memref<2528x16xi32, #tpu.memory_space<vmem>>, %arg11: memref<2528x16xi32, #tpu.memory_space<vmem>>, %arg12: memref<!tpu.dma_semaphore, #tpu.memory_space<semaphore_mem>>, %arg13: memref<!tpu.dma_semaphore, #tpu.memory_space<semaphore_mem>>) attributes {dimension_semantics = [#tpu.dimension_semantics<core_parallel>, #tpu.dimension_semantics<subcore_parallel>], iteration_bounds = array<i64: 2, 16>, scalar_prefetch = 0 : i64, scratch_operands = 10 : i64, tpu.core_type = #tpu.core_type<sc_vector_subcore>, window_params = [{transform_indices = #map}, {transform_indices = #map1}]} {
    %mul3A = arith.constant 2 : i32
    %mul3A_0 = arith.muli %arg1, %mul3A : i32
    %add3A = arith.addi %mul3A_0, %arg0 : i32
    %mul3A_1 = arith.constant 10000 : i32
    %mul3A_2 = arith.muli %add3A, %mul3A_1 : i32
    "tpu.region"() ({
      %run_scoped3A = tpu.sem_alloc : memref<!tpu.dma_semaphore, #tpu.memory_space<semaphore_mem>>
      %dma_start3A_183 = arith.constant 0 : i32
      %dma_start3A_184 = tpu.memref_slice %arg4[%dma_start3A_183] : memref<10112xi32, #tpu.memory_space<vmem>> -> memref<10000xi32, #tpu.memory_space<vmem>>
      %dma_start3A_185 = tpu.memref_slice %arg2[%mul3A_2] : memref<640000xi32, #tpu.memory_space<hbm>> -> memref<10000xi32, #tpu.memory_space<hbm>>
      %dma_start3A_186 = arith.constant 0 : i32
      %dma_start3A_187 = tpu.memref_slice %arg4[%dma_start3A_186] : memref<10112xi32, #tpu.memory_space<vmem>> -> memref<10000xi32, #tpu.memory_space<vmem>>
      %dma_start3A_188 = tpu.memref_slice %arg2[%mul3A_2] : memref<640000xi32, #tpu.memory_space<hbm>> -> memref<10000xi32, #tpu.memory_space<hbm>>
      tpu.enqueue_dma source(%dma_start3A_188 : memref<10000xi32, #tpu.memory_space<hbm>>) target(%dma_start3A_187 : memref<10000xi32, #tpu.memory_space<vmem>>) target_semaphore(%run_scoped3A : memref<!tpu.dma_semaphore, #tpu.memory_space<semaphore_mem>>)
      %dma_wait3A_189 = arith.constant 0 : i32
      %dma_wait3A_190 = tpu.memref_slice %arg4[%dma_wait3A_189] : memref<10112xi32, #tpu.memory_space<vmem>> -> memref<10000xi32, #tpu.memory_space<vmem>>
      %dma_wait3A_191 = tpu.memref_slice %arg2[%mul3A_2] : memref<640000xi32, #tpu.memory_space<hbm>> -> memref<10000xi32, #tpu.memory_space<hbm>>
      %dma_wait3A_192 = arith.constant 0 : i32
      %dma_wait3A_193 = tpu.memref_slice %arg4[%dma_wait3A_192] : memref<10112xi32, #tpu.memory_space<vmem>> -> memref<10000xi32, #tpu.memory_space<vmem>>
      %dma_wait3A_194 = tpu.memref_slice %arg2[%mul3A_2] : memref<640000xi32, #tpu.memory_space<hbm>> -> memref<10000xi32, #tpu.memory_space<hbm>>
      tpu.wait_dma2 semaphore(%run_scoped3A : memref<!tpu.dma_semaphore, #tpu.memory_space<semaphore_mem>>) src(%dma_wait3A_194 : memref<10000xi32, #tpu.memory_space<hbm>>) dst(%dma_wait3A_193 : memref<10000xi32, #tpu.memory_space<vmem>>)
      tpu.yield
    }) : () -> ()
    %mul3A_3 = arith.constant 10000 : i32
    %mul3A_4 = arith.muli %add3A, %mul3A_3 : i32
    %add3A_5 = arith.constant 320000 : i32
    %add3A_6 = arith.addi %add3A_5, %mul3A_4 : i32
    "tpu.region"() ({
      %run_scoped3A = tpu.sem_alloc : memref<!tpu.dma_semaphore, #tpu.memory_space<semaphore_mem>>
      %dma_start3A_183 = arith.constant 0 : i32
      %dma_start3A_184 = tpu.memref_slice %arg5[%dma_start3A_183] : memref<10112xi32, #tpu.memory_space<vmem>> -> memref<10000xi32, #tpu.memory_space<vmem>>
      %dma_start3A_185 = tpu.memref_slice %arg2[%add3A_6] : memref<640000xi32, #tpu.memory_space<hbm>> -> memref<10000xi32, #tpu.memory_space<hbm>>
      %dma_start3A_186 = arith.constant 0 : i32
      %dma_start3A_187 = tpu.memref_slice %arg5[%dma_start3A_186] : memref<10112xi32, #tpu.memory_space<vmem>> -> memref<10000xi32, #tpu.memory_space<vmem>>
      %dma_start3A_188 = tpu.memref_slice %arg2[%add3A_6] : memref<640000xi32, #tpu.memory_space<hbm>> -> memref<10000xi32, #tpu.memory_space<hbm>>
      tpu.enqueue_dma source(%dma_start3A_188 : memref<10000xi32, #tpu.memory_space<hbm>>) target(%dma_start3A_187 : memref<10000xi32, #tpu.memory_space<vmem>>) target_semaphore(%run_scoped3A : memref<!tpu.dma_semaphore, #tpu.memory_space<semaphore_mem>>)
      %dma_wait3A_189 = arith.constant 0 : i32
      %dma_wait3A_190 = tpu.memref_slice %arg5[%dma_wait3A_189] : memref<10112xi32, #tpu.memory_space<vmem>> -> memref<10000xi32, #tpu.memory_space<vmem>>
      %dma_wait3A_191 = tpu.memref_slice %arg2[%add3A_6] : memref<640000xi32, #tpu.memory_space<hbm>> -> memref<10000xi32, #tpu.memory_space<hbm>>
      %dma_wait3A_192 = arith.constant 0 : i32
      %dma_wait3A_193 = tpu.memref_slice %arg5[%dma_wait3A_192] : memref<10112xi32, #tpu.memory_space<vmem>> -> memref<10000xi32, #tpu.memory_space<vmem>>
      %dma_wait3A_194 = tpu.memref_slice %arg2[%add3A_6] : memref<640000xi32, #tpu.memory_space<hbm>> -> memref<10000xi32, #tpu.memory_space<hbm>>
      tpu.wait_dma2 semaphore(%run_scoped3A : memref<!tpu.dma_semaphore, #tpu.memory_space<semaphore_mem>>) src(%dma_wait3A_194 : memref<10000xi32, #tpu.memory_space<hbm>>) dst(%dma_wait3A_193 : memref<10000xi32, #tpu.memory_space<vmem>>)
      tpu.yield
    }) : () -> ()
    %iota3A = tpu.iota {dimensions = array<i32: 0>} : vector<16xi32>
    %broadcast_in_dim3A = arith.constant 0 : i32
    %broadcast_in_dim3A_7 = vector.broadcast %broadcast_in_dim3A : i32 to vector<16xi32>
    %mul3A_8 = arith.constant 10112 : i32
    %mul3A_9 = arith.muli %add3A, %mul3A_8 : i32
    %scan3A = arith.constant 0 : i32
    %scan3A_10 = arith.constant 158 : i32
    %scan3A_11 = arith.addi %scan3A, %scan3A_10 : i32
    %scan3A_12 = arith.constant 1 : i32
    scf.for %scan3A_183 = %scan3A to %scan3A_11 step %scan3A_12  : i32 {
      %mul3A_184 = arith.constant 16 : i32
      %mul3A_185 = arith.muli %scan3A_183, %mul3A_184 : i32
      %get3A = arith.index_cast %mul3A_185 : i32 to index
      %get3A_186 = tpu.vector_load %arg4[%get3A] {strides = array<i32>} : memref<10112xi32, #tpu.memory_space<vmem>>, vector<16xi32>,
      %mul3A_187 = arith.constant 16 : i32
      %mul3A_188 = arith.muli %scan3A_183, %mul3A_187 : i32
      %get3A_189 = arith.index_cast %mul3A_188 : i32 to index
      %get3A_190 = tpu.vector_load %arg5[%get3A_189] {strides = array<i32>} : memref<10112xi32, #tpu.memory_space<vmem>>, vector<16xi32>,
      %min3A = arith.minsi %get3A_186, %get3A_190 : vector<16xi32>
      %max3A = arith.maxsi %get3A_186, %get3A_190 : vector<16xi32>
      %mul3A_191 = arith.constant 10000 : i32
      %mul3A_192 = vector.broadcast %mul3A_191 : i32 to vector<16xi32>
      %mul3A_193 = arith.muli %min3A, %mul3A_192 : vector<16xi32>
      %add3A_194 = arith.addi %mul3A_193, %max3A : vector<16xi32>
      %mul3A_195 = arith.constant 1 : i32
      %mul3A_196 = vector.broadcast %mul3A_195 : i32 to vector<16xi32>
      %mul3A_197 = arith.muli %add3A_194, %mul3A_196 : vector<16xi32>
      %sub3A = arith.constant 0 : i32
      %sub3A_198 = arith.subi %scan3A_183, %sub3A : i32
      %mul3A_199 = arith.constant 16 : i32
      %mul3A_200 = arith.muli %sub3A_198, %mul3A_199 : i32
      %swap3A_201 = arith.index_cast %mul3A_200 : i32 to index
      %swap3A_202 = tpu.vector_load %arg6[%swap3A_201] {strides = array<i32>} : memref<2528xi32, #tpu.memory_space<vmem>>, vector<16xi32>,
      tpu.vector_store %arg6[%swap3A_201], %mul3A_197 {strides = array<i32>} : memref<2528xi32, #tpu.memory_space<vmem>>, vector<16xi32>,
    }
    %scan3A_13 = arith.constant 158 : i32
    %scan3A_14 = arith.constant 0 : i32
    %scan3A_15 = arith.constant 158 : i32
    %scan3A_16 = arith.addi %scan3A_14, %scan3A_15 : i32
    %scan3A_17 = arith.constant 1 : i32
    scf.for %scan3A_183 = %scan3A_14 to %scan3A_16 step %scan3A_17  : i32 {
      %add3A_184 = arith.constant 0 : i32
      %add3A_185 = arith.addi %mul3A_9, %add3A_184 : i32
      %mul3A_186 = arith.constant 16 : i32
      %mul3A_187 = arith.muli %scan3A_183, %mul3A_186 : i32
      %add3A_188 = arith.addi %add3A_185, %mul3A_187 : i32
      %add3A_189 = vector.broadcast %add3A_188 : i32 to vector<16xi32>
      %add3A_190 = arith.addi %add3A_189, %iota3A : vector<16xi32>
      %mul3A_191 = arith.constant 16 : i32
      %mul3A_192 = arith.muli %scan3A_183, %mul3A_191 : i32
      %add3A_193 = vector.broadcast %mul3A_192 : i32 to vector<16xi32>
      %add3A_194 = arith.addi %add3A_193, %iota3A : vector<16xi32>
      tpu.vector_store_idx %arg10[%add3A_194, %broadcast_in_dim3A_7], %add3A_190 : memref<2528x16xi32, #tpu.memory_space<vmem>>[vector<16xi32>, vector<16xi32>], vector<16xi32>,
    }
    %scan3A_18 = arith.constant 158 : i32
    %dma_start3A = arith.constant 0 : i32
    %dma_start3A_19 = arith.constant 0 : i32
    %dma_start3A_20 = tpu.memref_slice %arg3[%dma_start3A, %dma_start3A_19] : memref<100000000x16xi32, #tpu.memory_space<hbm>> -> memref<100000000x16xi32, #tpu.memory_space<hbm>>
    tpu.enqueue_indirect_dma source(%arg10 : memref<2528x16xi32, #tpu.memory_space<vmem>>) target(%dma_start3A_20 : memref<100000000x16xi32, #tpu.memory_space<hbm>>) offsets(%arg6 : memref<2528xi32, #tpu.memory_space<vmem>>) semaphore(%arg12 : memref<!tpu.dma_semaphore, #tpu.memory_space<semaphore_mem>>)
    %scan3A_21 = arith.constant 158 : i32
    %scan3A_22 = arith.constant 158 : i32
    %scan3A_23 = arith.addi %scan3A_21, %scan3A_22 : i32
    %scan3A_24 = arith.constant 1 : i32
    scf.for %scan3A_183 = %scan3A_21 to %scan3A_23 step %scan3A_24  : i32 {
      %mul3A_184 = arith.constant 16 : i32
      %mul3A_185 = arith.muli %scan3A_183, %mul3A_184 : i32
      %get3A = arith.index_cast %mul3A_185 : i32 to index
      %get3A_186 = tpu.vector_load %arg4[%get3A] {strides = array<i32>} : memref<10112xi32, #tpu.memory_space<vmem>>, vector<16xi32>,
      %mul3A_187 = arith.constant 16 : i32
      %mul3A_188 = arith.muli %scan3A_183, %mul3A_187 : i32
      %get3A_189 = arith.index_cast %mul3A_188 : i32 to index
      %get3A_190 = tpu.vector_load %arg5[%get3A_189] {strides = array<i32>} : memref<10112xi32, #tpu.memory_space<vmem>>, vector<16xi32>,
      %min3A = arith.minsi %get3A_186, %get3A_190 : vector<16xi32>
      %max3A = arith.maxsi %get3A_186, %get3A_190 : vector<16xi32>
      %mul3A_191 = arith.constant 10000 : i32
      %mul3A_192 = vector.broadcast %mul3A_191 : i32 to vector<16xi32>
      %mul3A_193 = arith.muli %min3A, %mul3A_192 : vector<16xi32>
      %add3A_194 = arith.addi %mul3A_193, %max3A : vector<16xi32>
      %mul3A_195 = arith.constant 1 : i32
      %mul3A_196 = vector.broadcast %mul3A_195 : i32 to vector<16xi32>
      %mul3A_197 = arith.muli %add3A_194, %mul3A_196 : vector<16xi32>
      %sub3A = arith.constant 158 : i32
      %sub3A_198 = arith.subi %scan3A_183, %sub3A : i32
      %mul3A_199 = arith.constant 16 : i32
      %mul3A_200 = arith.muli %sub3A_198, %mul3A_199 : i32
      %swap3A_201 = arith.index_cast %mul3A_200 : i32 to index
      %swap3A_202 = tpu.vector_load %arg7[%swap3A_201] {strides = array<i32>} : memref<2528xi32, #tpu.memory_space<vmem>>, vector<16xi32>,
      tpu.vector_store %arg7[%swap3A_201], %mul3A_197 {strides = array<i32>} : memref<2528xi32, #tpu.memory_space<vmem>>, vector<16xi32>,
    }
    %scan3A_25 = arith.constant 158 : i32
    %scan3A_26 = arith.constant 0 : i32
    %scan3A_27 = arith.constant 158 : i32
    %scan3A_28 = arith.addi %scan3A_26, %scan3A_27 : i32
    %scan3A_29 = arith.constant 1 : i32
    scf.for %scan3A_183 = %scan3A_26 to %scan3A_28 step %scan3A_29  : i32 {
      %add3A_184 = arith.constant 2528 : i32
      %add3A_185 = arith.addi %mul3A_9, %add3A_184 : i32
      %mul3A_186 = arith.constant 16 : i32
      %mul3A_187 = arith.muli %scan3A_183, %mul3A_186 : i32
      %add3A_188 = arith.addi %add3A_185, %mul3A_187 : i32
      %add3A_189 = vector.broadcast %add3A_188 : i32 to vector<16xi32>
      %add3A_190 = arith.addi %add3A_189, %iota3A : vector<16xi32>
      %mul3A_191 = arith.constant 16 : i32
      %mul3A_192 = arith.muli %scan3A_183, %mul3A_191 : i32
      %add3A_193 = vector.broadcast %mul3A_192 : i32 to vector<16xi32>
      %add3A_194 = arith.addi %add3A_193, %iota3A : vector<16xi32>
      tpu.vector_store_idx %arg11[%add3A_194, %broadcast_in_dim3A_7], %add3A_190 : memref<2528x16xi32, #tpu.memory_space<vmem>>[vector<16xi32>, vector<16xi32>], vector<16xi32>,
    }
    %scan3A_30 = arith.constant 158 : i32
    %dma_start3A_31 = arith.constant 0 : i32
    %dma_start3A_32 = arith.constant 0 : i32
    %dma_start3A_33 = tpu.memref_slice %arg3[%dma_start3A_31, %dma_start3A_32] : memref<100000000x16xi32, #tpu.memory_space<hbm>> -> memref<100000000x16xi32, #tpu.memory_space<hbm>>
    tpu.enqueue_indirect_dma source(%arg11 : memref<2528x16xi32, #tpu.memory_space<vmem>>) target(%dma_start3A_33 : memref<100000000x16xi32, #tpu.memory_space<hbm>>) offsets(%arg7 : memref<2528xi32, #tpu.memory_space<vmem>>) semaphore(%arg13 : memref<!tpu.dma_semaphore, #tpu.memory_space<semaphore_mem>>)
    %scan3A_34 = arith.constant 316 : i32
    %scan3A_35 = arith.constant 158 : i32
    %scan3A_36 = arith.addi %scan3A_34, %scan3A_35 : i32
    %scan3A_37 = arith.constant 1 : i32
    scf.for %scan3A_183 = %scan3A_34 to %scan3A_36 step %scan3A_37  : i32 {
      %mul3A_184 = arith.constant 16 : i32
      %mul3A_185 = arith.muli %scan3A_183, %mul3A_184 : i32
      %get3A = arith.index_cast %mul3A_185 : i32 to index
      %get3A_186 = tpu.vector_load %arg4[%get3A] {strides = array<i32>} : memref<10112xi32, #tpu.memory_space<vmem>>, vector<16xi32>,
      %mul3A_187 = arith.constant 16 : i32
      %mul3A_188 = arith.muli %scan3A_183, %mul3A_187 : i32
      %get3A_189 = arith.index_cast %mul3A_188 : i32 to index
      %get3A_190 = tpu.vector_load %arg5[%get3A_189] {strides = array<i32>} : memref<10112xi32, #tpu.memory_space<vmem>>, vector<16xi32>,
      %min3A = arith.minsi %get3A_186, %get3A_190 : vector<16xi32>
      %max3A = arith.maxsi %get3A_186, %get3A_190 : vector<16xi32>
      %mul3A_191 = arith.constant 10000 : i32
      %mul3A_192 = vector.broadcast %mul3A_191 : i32 to vector<16xi32>
      %mul3A_193 = arith.muli %min3A, %mul3A_192 : vector<16xi32>
      %add3A_194 = arith.addi %mul3A_193, %max3A : vector<16xi32>
      %mul3A_195 = arith.constant 1 : i32
      %mul3A_196 = vector.broadcast %mul3A_195 : i32 to vector<16xi32>
      %mul3A_197 = arith.muli %add3A_194, %mul3A_196 : vector<16xi32>
      %sub3A = arith.constant 316 : i32
      %sub3A_198 = arith.subi %scan3A_183, %sub3A : i32
      %mul3A_199 = arith.constant 16 : i32
      %mul3A_200 = arith.muli %sub3A_198, %mul3A_199 : i32
      %swap3A_201 = arith.index_cast %mul3A_200 : i32 to index
      %swap3A_202 = tpu.vector_load %arg8[%swap3A_201] {strides = array<i32>} : memref<2528xi32, #tpu.memory_space<vmem>>, vector<16xi32>,
      tpu.vector_store %arg8[%swap3A_201], %mul3A_197 {strides = array<i32>} : memref<2528xi32, #tpu.memory_space<vmem>>, vector<16xi32>,
    }
    %scan3A_38 = arith.constant 158 : i32
    %dma_wait3A = arith.constant 0 : i32
    %dma_wait3A_39 = arith.constant 0 : i32
    %dma_wait3A_40 = tpu.memref_slice %arg3[%dma_wait3A, %dma_wait3A_39] : memref<100000000x16xi32, #tpu.memory_space<hbm>> -> memref<100000000x16xi32, #tpu.memory_space<hbm>>
    tpu.wait_indirect_dma semaphore(%arg12 : memref<!tpu.dma_semaphore, #tpu.memory_space<semaphore_mem>>) src(%arg10 : memref<2528x16xi32, #tpu.memory_space<vmem>>) dst(%dma_wait3A_40 : memref<100000000x16xi32, #tpu.memory_space<hbm>>)
    %scan3A_41 = arith.constant 0 : i32
    %scan3A_42 = arith.constant 158 : i32
    %scan3A_43 = arith.addi %scan3A_41, %scan3A_42 : i32
    %scan3A_44 = arith.constant 1 : i32
    scf.for %scan3A_183 = %scan3A_41 to %scan3A_43 step %scan3A_44  : i32 {
      %add3A_184 = arith.constant 5056 : i32
      %add3A_185 = arith.addi %mul3A_9, %add3A_184 : i32
      %mul3A_186 = arith.constant 16 : i32
      %mul3A_187 = arith.muli %scan3A_183, %mul3A_186 : i32
      %add3A_188 = arith.addi %add3A_185, %mul3A_187 : i32
      %add3A_189 = vector.broadcast %add3A_188 : i32 to vector<16xi32>
      %add3A_190 = arith.addi %add3A_189, %iota3A : vector<16xi32>
      %mul3A_191 = arith.constant 16 : i32
      %mul3A_192 = arith.muli %scan3A_183, %mul3A_191 : i32
      %add3A_193 = vector.broadcast %mul3A_192 : i32 to vector<16xi32>
      %add3A_194 = arith.addi %add3A_193, %iota3A : vector<16xi32>
      tpu.vector_store_idx %arg10[%add3A_194, %broadcast_in_dim3A_7], %add3A_190 : memref<2528x16xi32, #tpu.memory_space<vmem>>[vector<16xi32>, vector<16xi32>], vector<16xi32>,
    }
    %scan3A_45 = arith.constant 158 : i32
    %dma_start3A_46 = arith.constant 0 : i32
    %dma_start3A_47 = arith.constant 0 : i32
    %dma_start3A_48 = tpu.memref_slice %arg3[%dma_start3A_46, %dma_start3A_47] : memref<100000000x16xi32, #tpu.memory_space<hbm>> -> memref<100000000x16xi32, #tpu.memory_space<hbm>>
    tpu.enqueue_indirect_dma source(%arg10 : memref<2528x16xi32, #tpu.memory_space<vmem>>) target(%dma_start3A_48 : memref<100000000x16xi32, #tpu.memory_space<hbm>>) offsets(%arg8 : memref<2528xi32, #tpu.memory_space<vmem>>) semaphore(%arg12 : memref<!tpu.dma_semaphore, #tpu.memory_space<semaphore_mem>>)
    %scan3A_49 = arith.constant 474 : i32
    %scan3A_50 = arith.constant 151 : i32
    %scan3A_51 = arith.addi %scan3A_49, %scan3A_50 : i32
    %scan3A_52 = arith.constant 1 : i32
    scf.for %scan3A_183 = %scan3A_49 to %scan3A_51 step %scan3A_52  : i32 {
      %mul3A_184 = arith.constant 16 : i32
      %mul3A_185 = arith.muli %scan3A_183, %mul3A_184 : i32
      %get3A = arith.index_cast %mul3A_185 : i32 to index
      %get3A_186 = tpu.vector_load %arg4[%get3A] {strides = array<i32>} : memref<10112xi32, #tpu.memory_space<vmem>>, vector<16xi32>,
      %mul3A_187 = arith.constant 16 : i32
      %mul3A_188 = arith.muli %scan3A_183, %mul3A_187 : i32
      %get3A_189 = arith.index_cast %mul3A_188 : i32 to index
      %get3A_190 = tpu.vector_load %arg5[%get3A_189] {strides = array<i32>} : memref<10112xi32, #tpu.memory_space<vmem>>, vector<16xi32>,
      %min3A = arith.minsi %get3A_186, %get3A_190 : vector<16xi32>
      %max3A = arith.maxsi %get3A_186, %get3A_190 : vector<16xi32>
      %mul3A_191 = arith.constant 10000 : i32
      %mul3A_192 = vector.broadcast %mul3A_191 : i32 to vector<16xi32>
      %mul3A_193 = arith.muli %min3A, %mul3A_192 : vector<16xi32>
      %add3A_194 = arith.addi %mul3A_193, %max3A : vector<16xi32>
      %mul3A_195 = arith.constant 1 : i32
      %mul3A_196 = vector.broadcast %mul3A_195 : i32 to vector<16xi32>
      %mul3A_197 = arith.muli %add3A_194, %mul3A_196 : vector<16xi32>
      %sub3A = arith.constant 474 : i32
      %sub3A_198 = arith.subi %scan3A_183, %sub3A : i32
      %mul3A_199 = arith.constant 16 : i32
      %mul3A_200 = arith.muli %sub3A_198, %mul3A_199 : i32
      %swap3A_201 = arith.index_cast %mul3A_200 : i32 to index
      %swap3A_202 = tpu.vector_load %arg9[%swap3A_201] {strides = array<i32>} : memref<2528xi32, #tpu.memory_space<vmem>>, vector<16xi32>,
      tpu.vector_store %arg9[%swap3A_201], %mul3A_197 {strides = array<i32>} : memref<2528xi32, #tpu.memory_space<vmem>>, vector<16xi32>,
    }
    %scan3A_53 = arith.constant 151 : i32
    %iota3A_54 = tpu.iota {dimensions = array<i32: 0>} : vector<16xi32>
    %mul3A_55 = arith.constant 112 : i32
    %mul3A_56 = arith.muli %add3A, %mul3A_55 : i32
    %add3A_57 = arith.constant 0 : i32
    %add3A_58 = arith.addi %mul3A_56, %add3A_57 : i32
    %add3A_59 = arith.constant 1 : i32
    %add3A_60 = arith.addi %add3A_58, %add3A_59 : i32
    %add3A_61 = vector.broadcast %add3A_60 : i32 to vector<16xi32>
    %add3A_62 = arith.addi %iota3A_54, %add3A_61 : vector<16xi32>
    %mul3A_63 = arith.constant 10000 : i32
    %mul3A_64 = vector.broadcast %mul3A_63 : i32 to vector<16xi32>
    %mul3A_65 = arith.muli %add3A_62, %mul3A_64 : vector<16xi32>
    %mul3A_66 = arith.constant 1 : i32
    %mul3A_67 = vector.broadcast %mul3A_66 : i32 to vector<16xi32>
    %mul3A_68 = arith.muli %mul3A_65, %mul3A_67 : vector<16xi32>
    %swap3A = arith.constant 2416 : index
    %swap3A_69 = tpu.vector_load %arg9[%swap3A] {strides = array<i32>} : memref<2528xi32, #tpu.memory_space<vmem>>, vector<16xi32>,
    tpu.vector_store %arg9[%swap3A], %mul3A_68 {strides = array<i32>} : memref<2528xi32, #tpu.memory_space<vmem>>, vector<16xi32>,
    %mul3A_70 = arith.constant 112 : i32
    %mul3A_71 = arith.muli %add3A, %mul3A_70 : i32
    %add3A_72 = arith.constant 16 : i32
    %add3A_73 = arith.addi %mul3A_71, %add3A_72 : i32
    %add3A_74 = arith.constant 1 : i32
    %add3A_75 = arith.addi %add3A_73, %add3A_74 : i32
    %add3A_76 = vector.broadcast %add3A_75 : i32 to vector<16xi32>
    %add3A_77 = arith.addi %iota3A_54, %add3A_76 : vector<16xi32>
    %mul3A_78 = arith.constant 10000 : i32
    %mul3A_79 = vector.broadcast %mul3A_78 : i32 to vector<16xi32>
    %mul3A_80 = arith.muli %add3A_77, %mul3A_79 : vector<16xi32>
    %mul3A_81 = arith.constant 1 : i32
    %mul3A_82 = vector.broadcast %mul3A_81 : i32 to vector<16xi32>
    %mul3A_83 = arith.muli %mul3A_80, %mul3A_82 : vector<16xi32>
    %swap3A_84 = arith.constant 2432 : index
    %swap3A_85 = tpu.vector_load %arg9[%swap3A_84] {strides = array<i32>} : memref<2528xi32, #tpu.memory_space<vmem>>, vector<16xi32>,
    tpu.vector_store %arg9[%swap3A_84], %mul3A_83 {strides = array<i32>} : memref<2528xi32, #tpu.memory_space<vmem>>, vector<16xi32>,
    %mul3A_86 = arith.constant 112 : i32
    %mul3A_87 = arith.muli %add3A, %mul3A_86 : i32
    %add3A_88 = arith.constant 32 : i32
    %add3A_89 = arith.addi %mul3A_87, %add3A_88 : i32
    %add3A_90 = arith.constant 1 : i32
    %add3A_91 = arith.addi %add3A_89, %add3A_90 : i32
    %add3A_92 = vector.broadcast %add3A_91 : i32 to vector<16xi32>
    %add3A_93 = arith.addi %iota3A_54, %add3A_92 : vector<16xi32>
    %mul3A_94 = arith.constant 10000 : i32
    %mul3A_95 = vector.broadcast %mul3A_94 : i32 to vector<16xi32>
    %mul3A_96 = arith.muli %add3A_93, %mul3A_95 : vector<16xi32>
    %mul3A_97 = arith.constant 1 : i32
    %mul3A_98 = vector.broadcast %mul3A_97 : i32 to vector<16xi32>
    %mul3A_99 = arith.muli %mul3A_96, %mul3A_98 : vector<16xi32>
    %swap3A_100 = arith.constant 2448 : index
    %swap3A_101 = tpu.vector_load %arg9[%swap3A_100] {strides = array<i32>} : memref<2528xi32, #tpu.memory_space<vmem>>, vector<16xi32>,
    tpu.vector_store %arg9[%swap3A_100], %mul3A_99 {strides = array<i32>} : memref<2528xi32, #tpu.memory_space<vmem>>, vector<16xi32>,
    %mul3A_102 = arith.constant 112 : i32
    %mul3A_103 = arith.muli %add3A, %mul3A_102 : i32
    %add3A_104 = arith.constant 48 : i32
    %add3A_105 = arith.addi %mul3A_103, %add3A_104 : i32
    %add3A_106 = arith.constant 1 : i32
    %add3A_107 = arith.addi %add3A_105, %add3A_106 : i32
    %add3A_108 = vector.broadcast %add3A_107 : i32 to vector<16xi32>
    %add3A_109 = arith.addi %iota3A_54, %add3A_108 : vector<16xi32>
    %mul3A_110 = arith.constant 10000 : i32
    %mul3A_111 = vector.broadcast %mul3A_110 : i32 to vector<16xi32>
    %mul3A_112 = arith.muli %add3A_109, %mul3A_111 : vector<16xi32>
    %mul3A_113 = arith.constant 1 : i32
    %mul3A_114 = vector.broadcast %mul3A_113 : i32 to vector<16xi32>
    %mul3A_115 = arith.muli %mul3A_112, %mul3A_114 : vector<16xi32>
    %swap3A_116 = arith.constant 2464 : index
    %swap3A_117 = tpu.vector_load %arg9[%swap3A_116] {strides = array<i32>} : memref<2528xi32, #tpu.memory_space<vmem>>, vector<16xi32>,
    tpu.vector_store %arg9[%swap3A_116], %mul3A_115 {strides = array<i32>} : memref<2528xi32, #tpu.memory_space<vmem>>, vector<16xi32>,
    %mul3A_118 = arith.constant 112 : i32
    %mul3A_119 = arith.muli %add3A, %mul3A_118 : i32
    %add3A_120 = arith.constant 64 : i32
    %add3A_121 = arith.addi %mul3A_119, %add3A_120 : i32
    %add3A_122 = arith.constant 1 : i32
    %add3A_123 = arith.addi %add3A_121, %add3A_122 : i32
    %add3A_124 = vector.broadcast %add3A_123 : i32 to vector<16xi32>
    %add3A_125 = arith.addi %iota3A_54, %add3A_124 : vector<16xi32>
    %mul3A_126 = arith.constant 10000 : i32
    %mul3A_127 = vector.broadcast %mul3A_126 : i32 to vector<16xi32>
    %mul3A_128 = arith.muli %add3A_125, %mul3A_127 : vector<16xi32>
    %mul3A_129 = arith.constant 1 : i32
    %mul3A_130 = vector.broadcast %mul3A_129 : i32 to vector<16xi32>
    %mul3A_131 = arith.muli %mul3A_128, %mul3A_130 : vector<16xi32>
    %swap3A_132 = arith.constant 2480 : index
    %swap3A_133 = tpu.vector_load %arg9[%swap3A_132] {strides = array<i32>} : memref<2528xi32, #tpu.memory_space<vmem>>, vector<16xi32>,
    tpu.vector_store %arg9[%swap3A_132], %mul3A_131 {strides = array<i32>} : memref<2528xi32, #tpu.memory_space<vmem>>, vector<16xi32>,
    %mul3A_134 = arith.constant 112 : i32
    %mul3A_135 = arith.muli %add3A, %mul3A_134 : i32
    %add3A_136 = arith.constant 80 : i32
    %add3A_137 = arith.addi %mul3A_135, %add3A_136 : i32
    %add3A_138 = arith.constant 1 : i32
    %add3A_139 = arith.addi %add3A_137, %add3A_138 : i32
    %add3A_140 = vector.broadcast %add3A_139 : i32 to vector<16xi32>
    %add3A_141 = arith.addi %iota3A_54, %add3A_140 : vector<16xi32>
    %mul3A_142 = arith.constant 10000 : i32
    %mul3A_143 = vector.broadcast %mul3A_142 : i32 to vector<16xi32>
    %mul3A_144 = arith.muli %add3A_141, %mul3A_143 : vector<16xi32>
    %mul3A_145 = arith.constant 1 : i32
    %mul3A_146 = vector.broadcast %mul3A_145 : i32 to vector<16xi32>
    %mul3A_147 = arith.muli %mul3A_144, %mul3A_146 : vector<16xi32>
    %swap3A_148 = arith.constant 2496 : index
    %swap3A_149 = tpu.vector_load %arg9[%swap3A_148] {strides = array<i32>} : memref<2528xi32, #tpu.memory_space<vmem>>, vector<16xi32>,
    tpu.vector_store %arg9[%swap3A_148], %mul3A_147 {strides = array<i32>} : memref<2528xi32, #tpu.memory_space<vmem>>, vector<16xi32>,
    %mul3A_150 = arith.constant 112 : i32
    %mul3A_151 = arith.muli %add3A, %mul3A_150 : i32
    %add3A_152 = arith.constant 96 : i32
    %add3A_153 = arith.addi %mul3A_151, %add3A_152 : i32
    %add3A_154 = arith.constant 1 : i32
    %add3A_155 = arith.addi %add3A_153, %add3A_154 : i32
    %add3A_156 = vector.broadcast %add3A_155 : i32 to vector<16xi32>
    %add3A_157 = arith.addi %iota3A_54, %add3A_156 : vector<16xi32>
    %mul3A_158 = arith.constant 10000 : i32
    %mul3A_159 = vector.broadcast %mul3A_158 : i32 to vector<16xi32>
    %mul3A_160 = arith.muli %add3A_157, %mul3A_159 : vector<16xi32>
    %mul3A_161 = arith.constant 1 : i32
    %mul3A_162 = vector.broadcast %mul3A_161 : i32 to vector<16xi32>
    %mul3A_163 = arith.muli %mul3A_160, %mul3A_162 : vector<16xi32>
    %swap3A_164 = arith.constant 2512 : index
    %swap3A_165 = tpu.vector_load %arg9[%swap3A_164] {strides = array<i32>} : memref<2528xi32, #tpu.memory_space<vmem>>, vector<16xi32>,
    tpu.vector_store %arg9[%swap3A_164], %mul3A_163 {strides = array<i32>} : memref<2528xi32, #tpu.memory_space<vmem>>, vector<16xi32>,
    %dma_wait3A_166 = arith.constant 0 : i32
    %dma_wait3A_167 = arith.constant 0 : i32
    %dma_wait3A_168 = tpu.memref_slice %arg3[%dma_wait3A_166, %dma_wait3A_167] : memref<100000000x16xi32, #tpu.memory_space<hbm>> -> memref<100000000x16xi32, #tpu.memory_space<hbm>>
    tpu.wait_indirect_dma semaphore(%arg13 : memref<!tpu.dma_semaphore, #tpu.memory_space<semaphore_mem>>) src(%arg11 : memref<2528x16xi32, #tpu.memory_space<vmem>>) dst(%dma_wait3A_168 : memref<100000000x16xi32, #tpu.memory_space<hbm>>)
    %scan3A_169 = arith.constant 0 : i32
    %scan3A_170 = arith.constant 158 : i32
    %scan3A_171 = arith.addi %scan3A_169, %scan3A_170 : i32
    %scan3A_172 = arith.constant 1 : i32
    scf.for %scan3A_183 = %scan3A_169 to %scan3A_171 step %scan3A_172  : i32 {
      %add3A_184 = arith.constant 7584 : i32
      %add3A_185 = arith.addi %mul3A_9, %add3A_184 : i32
      %mul3A_186 = arith.constant 16 : i32
      %mul3A_187 = arith.muli %scan3A_183, %mul3A_186 : i32
      %add3A_188 = arith.addi %add3A_185, %mul3A_187 : i32
      %add3A_189 = vector.broadcast %add3A_188 : i32 to vector<16xi32>
      %add3A_190 = arith.addi %add3A_189, %iota3A : vector<16xi32>
      %mul3A_191 = arith.constant 16 : i32
      %mul3A_192 = arith.muli %scan3A_183, %mul3A_191 : i32
      %add3A_193 = vector.broadcast %mul3A_192 : i32 to vector<16xi32>
      %add3A_194 = arith.addi %add3A_193, %iota3A : vector<16xi32>
      tpu.vector_store_idx %arg11[%add3A_194, %broadcast_in_dim3A_7], %add3A_190 : memref<2528x16xi32, #tpu.memory_space<vmem>>[vector<16xi32>, vector<16xi32>], vector<16xi32>,
    }
    %scan3A_173 = arith.constant 158 : i32
    %dma_start3A_174 = arith.constant 0 : i32
    %dma_start3A_175 = arith.constant 0 : i32
    %dma_start3A_176 = tpu.memref_slice %arg3[%dma_start3A_174, %dma_start3A_175] : memref<100000000x16xi32, #tpu.memory_space<hbm>> -> memref<100000000x16xi32, #tpu.memory_space<hbm>>
    tpu.enqueue_indirect_dma source(%arg11 : memref<2528x16xi32, #tpu.memory_space<vmem>>) target(%dma_start3A_176 : memref<100000000x16xi32, #tpu.memory_space<hbm>>) offsets(%arg9 : memref<2528xi32, #tpu.memory_space<vmem>>) semaphore(%arg13 : memref<!tpu.dma_semaphore, #tpu.memory_space<semaphore_mem>>)
    %dma_wait3A_177 = arith.constant 0 : i32
    %dma_wait3A_178 = arith.constant 0 : i32
    %dma_wait3A_179 = tpu.memref_slice %arg3[%dma_wait3A_177, %dma_wait3A_178] : memref<100000000x16xi32, #tpu.memory_space<hbm>> -> memref<100000000x16xi32, #tpu.memory_space<hbm>>
    tpu.wait_indirect_dma semaphore(%arg12 : memref<!tpu.dma_semaphore, #tpu.memory_space<semaphore_mem>>) src(%arg10 : memref<2528x16xi32, #tpu.memory_space<vmem>>) dst(%dma_wait3A_179 : memref<100000000x16xi32, #tpu.memory_space<hbm>>)
    %dma_wait3A_180 = arith.constant 0 : i32
    %dma_wait3A_181 = arith.constant 0 : i32
    %dma_wait3A_182 = tpu.memref_slice %arg3[%dma_wait3A_180, %dma_wait3A_181] : memref<100000000x16xi32, #tpu.memory_space<hbm>> -> memref<100000000x16xi32, #tpu.memory_space<hbm>>
    tpu.wait_indirect_dma semaphore(%arg13 : memref<!tpu.dma_semaphore, #tpu.memory_space<semaphore_mem>>) src(%arg11 : memref<2528x16xi32, #tpu.memory_space<vmem>>) dst(%dma_wait3A_182 : memref<100000000x16xi32, #tpu.memory_space<hbm>>)
    return
  }
}

#map = affine_map<(d0, d1) -> (0)>
#map1 = affine_map<(d0, d1) -> (0, 0)>
module attributes {stable_mosaic.version = 14 : i64} {
  func.func @count_winners(%arg0: i32, %arg1: i32, %arg2: memref<1600000000xi32, #tpu.memory_space<hbm>>, %arg3: memref<640000xi32, #tpu.memory_space<hbm>>, %arg4: memref<32x10240xf32, #tpu.memory_space<hbm>>, %arg5: memref<10112xi32, #tpu.memory_space<vmem>>, %arg6: memref<10112xi32, #tpu.memory_space<vmem>>, %arg7: memref<2528xi32, #tpu.memory_space<vmem>>, %arg8: memref<2528xi32, #tpu.memory_space<vmem>>, %arg9: memref<2528xi32, #tpu.memory_space<vmem>>, %arg10: memref<2528xi32, #tpu.memory_space<vmem>>, %arg11: memref<10112xi32, #tpu.memory_space<vmem>>, %arg12: memref<10240xf32, #tpu.memory_space<vmem>>, %arg13: memref<!tpu.dma_semaphore, #tpu.memory_space<semaphore_mem>>, %arg14: memref<!tpu.dma_semaphore, #tpu.memory_space<semaphore_mem>>, %arg15: memref<!tpu.dma_semaphore, #tpu.memory_space<semaphore_mem>>, %arg16: memref<!tpu.dma_semaphore, #tpu.memory_space<semaphore_mem>>) attributes {dimension_semantics = [#tpu.dimension_semantics<core_parallel>, #tpu.dimension_semantics<subcore_parallel>], iteration_bounds = array<i64: 2, 16>, scalar_prefetch = 0 : i64, scratch_operands = 12 : i64, tpu.core_type = #tpu.core_type<sc_vector_subcore>, window_params = [{transform_indices = #map}, {transform_indices = #map}, {transform_indices = #map1}]} {
    %mul3A = arith.constant 2 : i32
    %mul3A_0 = arith.muli %arg1, %mul3A : i32
    %add3A = arith.addi %mul3A_0, %arg0 : i32
    %mul3A_1 = arith.constant 10000 : i32
    %mul3A_2 = arith.muli %add3A, %mul3A_1 : i32
    "tpu.region"() ({
      %run_scoped3A = tpu.sem_alloc : memref<!tpu.dma_semaphore, #tpu.memory_space<semaphore_mem>>
      %dma_start3A_178 = arith.constant 0 : i32
      %dma_start3A_179 = tpu.memref_slice %arg5[%dma_start3A_178] : memref<10112xi32, #tpu.memory_space<vmem>> -> memref<10000xi32, #tpu.memory_space<vmem>>
      %dma_start3A_180 = tpu.memref_slice %arg3[%mul3A_2] : memref<640000xi32, #tpu.memory_space<hbm>> -> memref<10000xi32, #tpu.memory_space<hbm>>
      %dma_start3A_181 = arith.constant 0 : i32
      %dma_start3A_182 = tpu.memref_slice %arg5[%dma_start3A_181] : memref<10112xi32, #tpu.memory_space<vmem>> -> memref<10000xi32, #tpu.memory_space<vmem>>
      %dma_start3A_183 = tpu.memref_slice %arg3[%mul3A_2] : memref<640000xi32, #tpu.memory_space<hbm>> -> memref<10000xi32, #tpu.memory_space<hbm>>
      tpu.enqueue_dma source(%dma_start3A_183 : memref<10000xi32, #tpu.memory_space<hbm>>) target(%dma_start3A_182 : memref<10000xi32, #tpu.memory_space<vmem>>) target_semaphore(%run_scoped3A : memref<!tpu.dma_semaphore, #tpu.memory_space<semaphore_mem>>)
      %dma_wait3A_184 = arith.constant 0 : i32
      %dma_wait3A_185 = tpu.memref_slice %arg5[%dma_wait3A_184] : memref<10112xi32, #tpu.memory_space<vmem>> -> memref<10000xi32, #tpu.memory_space<vmem>>
      %dma_wait3A_186 = tpu.memref_slice %arg3[%mul3A_2] : memref<640000xi32, #tpu.memory_space<hbm>> -> memref<10000xi32, #tpu.memory_space<hbm>>
      %dma_wait3A_187 = arith.constant 0 : i32
      %dma_wait3A_188 = tpu.memref_slice %arg5[%dma_wait3A_187] : memref<10112xi32, #tpu.memory_space<vmem>> -> memref<10000xi32, #tpu.memory_space<vmem>>
      %dma_wait3A_189 = tpu.memref_slice %arg3[%mul3A_2] : memref<640000xi32, #tpu.memory_space<hbm>> -> memref<10000xi32, #tpu.memory_space<hbm>>
      tpu.wait_dma2 semaphore(%run_scoped3A : memref<!tpu.dma_semaphore, #tpu.memory_space<semaphore_mem>>) src(%dma_wait3A_189 : memref<10000xi32, #tpu.memory_space<hbm>>) dst(%dma_wait3A_188 : memref<10000xi32, #tpu.memory_space<vmem>>)
      tpu.yield
    }) : () -> ()
    %mul3A_3 = arith.constant 10000 : i32
    %mul3A_4 = arith.muli %add3A, %mul3A_3 : i32
    %add3A_5 = arith.constant 320000 : i32
    %add3A_6 = arith.addi %add3A_5, %mul3A_4 : i32
    "tpu.region"() ({
      %run_scoped3A = tpu.sem_alloc : memref<!tpu.dma_semaphore, #tpu.memory_space<semaphore_mem>>
      %dma_start3A_178 = arith.constant 0 : i32
      %dma_start3A_179 = tpu.memref_slice %arg6[%dma_start3A_178] : memref<10112xi32, #tpu.memory_space<vmem>> -> memref<10000xi32, #tpu.memory_space<vmem>>
      %dma_start3A_180 = tpu.memref_slice %arg3[%add3A_6] : memref<640000xi32, #tpu.memory_space<hbm>> -> memref<10000xi32, #tpu.memory_space<hbm>>
      %dma_start3A_181 = arith.constant 0 : i32
      %dma_start3A_182 = tpu.memref_slice %arg6[%dma_start3A_181] : memref<10112xi32, #tpu.memory_space<vmem>> -> memref<10000xi32, #tpu.memory_space<vmem>>
      %dma_start3A_183 = tpu.memref_slice %arg3[%add3A_6] : memref<640000xi32, #tpu.memory_space<hbm>> -> memref<10000xi32, #tpu.memory_space<hbm>>
      tpu.enqueue_dma source(%dma_start3A_183 : memref<10000xi32, #tpu.memory_space<hbm>>) target(%dma_start3A_182 : memref<10000xi32, #tpu.memory_space<vmem>>) target_semaphore(%run_scoped3A : memref<!tpu.dma_semaphore, #tpu.memory_space<semaphore_mem>>)
      %dma_wait3A_184 = arith.constant 0 : i32
      %dma_wait3A_185 = tpu.memref_slice %arg6[%dma_wait3A_184] : memref<10112xi32, #tpu.memory_space<vmem>> -> memref<10000xi32, #tpu.memory_space<vmem>>
      %dma_wait3A_186 = tpu.memref_slice %arg3[%add3A_6] : memref<640000xi32, #tpu.memory_space<hbm>> -> memref<10000xi32, #tpu.memory_space<hbm>>
      %dma_wait3A_187 = arith.constant 0 : i32
      %dma_wait3A_188 = tpu.memref_slice %arg6[%dma_wait3A_187] : memref<10112xi32, #tpu.memory_space<vmem>> -> memref<10000xi32, #tpu.memory_space<vmem>>
      %dma_wait3A_189 = tpu.memref_slice %arg3[%add3A_6] : memref<640000xi32, #tpu.memory_space<hbm>> -> memref<10000xi32, #tpu.memory_space<hbm>>
      tpu.wait_dma2 semaphore(%run_scoped3A : memref<!tpu.dma_semaphore, #tpu.memory_space<semaphore_mem>>) src(%dma_wait3A_189 : memref<10000xi32, #tpu.memory_space<hbm>>) dst(%dma_wait3A_188 : memref<10000xi32, #tpu.memory_space<vmem>>)
      tpu.yield
    }) : () -> ()
    %scan3A = arith.constant 0 : i32
    %scan3A_7 = arith.constant 158 : i32
    %scan3A_8 = arith.addi %scan3A, %scan3A_7 : i32
    %scan3A_9 = arith.constant 1 : i32
    scf.for %scan3A_178 = %scan3A to %scan3A_8 step %scan3A_9  : i32 {
      %mul3A_179 = arith.constant 16 : i32
      %mul3A_180 = arith.muli %scan3A_178, %mul3A_179 : i32
      %get3A = arith.index_cast %mul3A_180 : i32 to index
      %get3A_181 = tpu.vector_load %arg5[%get3A] {strides = array<i32>} : memref<10112xi32, #tpu.memory_space<vmem>>, vector<16xi32>,
      %mul3A_182 = arith.constant 16 : i32
      %mul3A_183 = arith.muli %scan3A_178, %mul3A_182 : i32
      %get3A_184 = arith.index_cast %mul3A_183 : i32 to index
      %get3A_185 = tpu.vector_load %arg6[%get3A_184] {strides = array<i32>} : memref<10112xi32, #tpu.memory_space<vmem>>, vector<16xi32>,
      %min3A = arith.minsi %get3A_181, %get3A_185 : vector<16xi32>
      %max3A = arith.maxsi %get3A_181, %get3A_185 : vector<16xi32>
      %mul3A_186 = arith.constant 10000 : i32
      %mul3A_187 = vector.broadcast %mul3A_186 : i32 to vector<16xi32>
      %mul3A_188 = arith.muli %min3A, %mul3A_187 : vector<16xi32>
      %add3A_189 = arith.addi %mul3A_188, %max3A : vector<16xi32>
      %mul3A_190 = arith.constant 16 : i32
      %mul3A_191 = vector.broadcast %mul3A_190 : i32 to vector<16xi32>
      %mul3A_192 = arith.muli %add3A_189, %mul3A_191 : vector<16xi32>
      %sub3A = arith.constant 0 : i32
      %sub3A_193 = arith.subi %scan3A_178, %sub3A : i32
      %mul3A_194 = arith.constant 16 : i32
      %mul3A_195 = arith.muli %sub3A_193, %mul3A_194 : i32
      %swap3A_196 = arith.index_cast %mul3A_195 : i32 to index
      %swap3A_197 = tpu.vector_load %arg7[%swap3A_196] {strides = array<i32>} : memref<2528xi32, #tpu.memory_space<vmem>>, vector<16xi32>,
      tpu.vector_store %arg7[%swap3A_196], %mul3A_192 {strides = array<i32>} : memref<2528xi32, #tpu.memory_space<vmem>>, vector<16xi32>,
    }
    %scan3A_10 = arith.constant 158 : i32
    %dma_start3A = arith.constant 0 : i32
    %dma_start3A_11 = tpu.memref_slice %arg11[%dma_start3A] : memref<10112xi32, #tpu.memory_space<vmem>> -> memref<2528xi32, #tpu.memory_space<vmem>>
    %dma_start3A_12 = arith.constant 0 : i32
    %dma_start3A_13 = tpu.memref_slice %arg2[%dma_start3A_12] : memref<1600000000xi32, #tpu.memory_space<hbm>> -> memref<1600000000xi32, #tpu.memory_space<hbm>>
    tpu.enqueue_indirect_dma source(%dma_start3A_13 : memref<1600000000xi32, #tpu.memory_space<hbm>>) target(%dma_start3A_11 : memref<2528xi32, #tpu.memory_space<vmem>>) offsets(%arg7 : memref<2528xi32, #tpu.memory_space<vmem>>) semaphore(%arg13 : memref<!tpu.dma_semaphore, #tpu.memory_space<semaphore_mem>>)
    %scan3A_14 = arith.constant 158 : i32
    %scan3A_15 = arith.constant 158 : i32
    %scan3A_16 = arith.addi %scan3A_14, %scan3A_15 : i32
    %scan3A_17 = arith.constant 1 : i32
    scf.for %scan3A_178 = %scan3A_14 to %scan3A_16 step %scan3A_17  : i32 {
      %mul3A_179 = arith.constant 16 : i32
      %mul3A_180 = arith.muli %scan3A_178, %mul3A_179 : i32
      %get3A = arith.index_cast %mul3A_180 : i32 to index
      %get3A_181 = tpu.vector_load %arg5[%get3A] {strides = array<i32>} : memref<10112xi32, #tpu.memory_space<vmem>>, vector<16xi32>,
      %mul3A_182 = arith.constant 16 : i32
      %mul3A_183 = arith.muli %scan3A_178, %mul3A_182 : i32
      %get3A_184 = arith.index_cast %mul3A_183 : i32 to index
      %get3A_185 = tpu.vector_load %arg6[%get3A_184] {strides = array<i32>} : memref<10112xi32, #tpu.memory_space<vmem>>, vector<16xi32>,
      %min3A = arith.minsi %get3A_181, %get3A_185 : vector<16xi32>
      %max3A = arith.maxsi %get3A_181, %get3A_185 : vector<16xi32>
      %mul3A_186 = arith.constant 10000 : i32
      %mul3A_187 = vector.broadcast %mul3A_186 : i32 to vector<16xi32>
      %mul3A_188 = arith.muli %min3A, %mul3A_187 : vector<16xi32>
      %add3A_189 = arith.addi %mul3A_188, %max3A : vector<16xi32>
      %mul3A_190 = arith.constant 16 : i32
      %mul3A_191 = vector.broadcast %mul3A_190 : i32 to vector<16xi32>
      %mul3A_192 = arith.muli %add3A_189, %mul3A_191 : vector<16xi32>
      %sub3A = arith.constant 158 : i32
      %sub3A_193 = arith.subi %scan3A_178, %sub3A : i32
      %mul3A_194 = arith.constant 16 : i32
      %mul3A_195 = arith.muli %sub3A_193, %mul3A_194 : i32
      %swap3A_196 = arith.index_cast %mul3A_195 : i32 to index
      %swap3A_197 = tpu.vector_load %arg8[%swap3A_196] {strides = array<i32>} : memref<2528xi32, #tpu.memory_space<vmem>>, vector<16xi32>,
      tpu.vector_store %arg8[%swap3A_196], %mul3A_192 {strides = array<i32>} : memref<2528xi32, #tpu.memory_space<vmem>>, vector<16xi32>,
    }
    %scan3A_18 = arith.constant 158 : i32
    %dma_start3A_19 = arith.constant 2528 : i32
    %dma_start3A_20 = tpu.memref_slice %arg11[%dma_start3A_19] : memref<10112xi32, #tpu.memory_space<vmem>> -> memref<2528xi32, #tpu.memory_space<vmem>>
    %dma_start3A_21 = arith.constant 0 : i32
    %dma_start3A_22 = tpu.memref_slice %arg2[%dma_start3A_21] : memref<1600000000xi32, #tpu.memory_space<hbm>> -> memref<1600000000xi32, #tpu.memory_space<hbm>>
    tpu.enqueue_indirect_dma source(%dma_start3A_22 : memref<1600000000xi32, #tpu.memory_space<hbm>>) target(%dma_start3A_20 : memref<2528xi32, #tpu.memory_space<vmem>>) offsets(%arg8 : memref<2528xi32, #tpu.memory_space<vmem>>) semaphore(%arg14 : memref<!tpu.dma_semaphore, #tpu.memory_space<semaphore_mem>>)
    %scan3A_23 = arith.constant 316 : i32
    %scan3A_24 = arith.constant 158 : i32
    %scan3A_25 = arith.addi %scan3A_23, %scan3A_24 : i32
    %scan3A_26 = arith.constant 1 : i32
    scf.for %scan3A_178 = %scan3A_23 to %scan3A_25 step %scan3A_26  : i32 {
      %mul3A_179 = arith.constant 16 : i32
      %mul3A_180 = arith.muli %scan3A_178, %mul3A_179 : i32
      %get3A = arith.index_cast %mul3A_180 : i32 to index
      %get3A_181 = tpu.vector_load %arg5[%get3A] {strides = array<i32>} : memref<10112xi32, #tpu.memory_space<vmem>>, vector<16xi32>,
      %mul3A_182 = arith.constant 16 : i32
      %mul3A_183 = arith.muli %scan3A_178, %mul3A_182 : i32
      %get3A_184 = arith.index_cast %mul3A_183 : i32 to index
      %get3A_185 = tpu.vector_load %arg6[%get3A_184] {strides = array<i32>} : memref<10112xi32, #tpu.memory_space<vmem>>, vector<16xi32>,
      %min3A = arith.minsi %get3A_181, %get3A_185 : vector<16xi32>
      %max3A = arith.maxsi %get3A_181, %get3A_185 : vector<16xi32>
      %mul3A_186 = arith.constant 10000 : i32
      %mul3A_187 = vector.broadcast %mul3A_186 : i32 to vector<16xi32>
      %mul3A_188 = arith.muli %min3A, %mul3A_187 : vector<16xi32>
      %add3A_189 = arith.addi %mul3A_188, %max3A : vector<16xi32>
      %mul3A_190 = arith.constant 16 : i32
      %mul3A_191 = vector.broadcast %mul3A_190 : i32 to vector<16xi32>
      %mul3A_192 = arith.muli %add3A_189, %mul3A_191 : vector<16xi32>
      %sub3A = arith.constant 316 : i32
      %sub3A_193 = arith.subi %scan3A_178, %sub3A : i32
      %mul3A_194 = arith.constant 16 : i32
      %mul3A_195 = arith.muli %sub3A_193, %mul3A_194 : i32
      %swap3A_196 = arith.index_cast %mul3A_195 : i32 to index
      %swap3A_197 = tpu.vector_load %arg9[%swap3A_196] {strides = array<i32>} : memref<2528xi32, #tpu.memory_space<vmem>>, vector<16xi32>,
      tpu.vector_store %arg9[%swap3A_196], %mul3A_192 {strides = array<i32>} : memref<2528xi32, #tpu.memory_space<vmem>>, vector<16xi32>,
    }
    %scan3A_27 = arith.constant 158 : i32
    %dma_start3A_28 = arith.constant 5056 : i32
    %dma_start3A_29 = tpu.memref_slice %arg11[%dma_start3A_28] : memref<10112xi32, #tpu.memory_space<vmem>> -> memref<2528xi32, #tpu.memory_space<vmem>>
    %dma_start3A_30 = arith.constant 0 : i32
    %dma_start3A_31 = tpu.memref_slice %arg2[%dma_start3A_30] : memref<1600000000xi32, #tpu.memory_space<hbm>> -> memref<1600000000xi32, #tpu.memory_space<hbm>>
    tpu.enqueue_indirect_dma source(%dma_start3A_31 : memref<1600000000xi32, #tpu.memory_space<hbm>>) target(%dma_start3A_29 : memref<2528xi32, #tpu.memory_space<vmem>>) offsets(%arg9 : memref<2528xi32, #tpu.memory_space<vmem>>) semaphore(%arg15 : memref<!tpu.dma_semaphore, #tpu.memory_space<semaphore_mem>>)
    %scan3A_32 = arith.constant 474 : i32
    %scan3A_33 = arith.constant 151 : i32
    %scan3A_34 = arith.addi %scan3A_32, %scan3A_33 : i32
    %scan3A_35 = arith.constant 1 : i32
    scf.for %scan3A_178 = %scan3A_32 to %scan3A_34 step %scan3A_35  : i32 {
      %mul3A_179 = arith.constant 16 : i32
      %mul3A_180 = arith.muli %scan3A_178, %mul3A_179 : i32
      %get3A = arith.index_cast %mul3A_180 : i32 to index
      %get3A_181 = tpu.vector_load %arg5[%get3A] {strides = array<i32>} : memref<10112xi32, #tpu.memory_space<vmem>>, vector<16xi32>,
      %mul3A_182 = arith.constant 16 : i32
      %mul3A_183 = arith.muli %scan3A_178, %mul3A_182 : i32
      %get3A_184 = arith.index_cast %mul3A_183 : i32 to index
      %get3A_185 = tpu.vector_load %arg6[%get3A_184] {strides = array<i32>} : memref<10112xi32, #tpu.memory_space<vmem>>, vector<16xi32>,
      %min3A = arith.minsi %get3A_181, %get3A_185 : vector<16xi32>
      %max3A = arith.maxsi %get3A_181, %get3A_185 : vector<16xi32>
      %mul3A_186 = arith.constant 10000 : i32
      %mul3A_187 = vector.broadcast %mul3A_186 : i32 to vector<16xi32>
      %mul3A_188 = arith.muli %min3A, %mul3A_187 : vector<16xi32>
      %add3A_189 = arith.addi %mul3A_188, %max3A : vector<16xi32>
      %mul3A_190 = arith.constant 16 : i32
      %mul3A_191 = vector.broadcast %mul3A_190 : i32 to vector<16xi32>
      %mul3A_192 = arith.muli %add3A_189, %mul3A_191 : vector<16xi32>
      %sub3A = arith.constant 474 : i32
      %sub3A_193 = arith.subi %scan3A_178, %sub3A : i32
      %mul3A_194 = arith.constant 16 : i32
      %mul3A_195 = arith.muli %sub3A_193, %mul3A_194 : i32
      %swap3A_196 = arith.index_cast %mul3A_195 : i32 to index
      %swap3A_197 = tpu.vector_load %arg10[%swap3A_196] {strides = array<i32>} : memref<2528xi32, #tpu.memory_space<vmem>>, vector<16xi32>,
      tpu.vector_store %arg10[%swap3A_196], %mul3A_192 {strides = array<i32>} : memref<2528xi32, #tpu.memory_space<vmem>>, vector<16xi32>,
    }
    %scan3A_36 = arith.constant 151 : i32
    %iota3A = tpu.iota {dimensions = array<i32: 0>} : vector<16xi32>
    %mul3A_37 = arith.constant 112 : i32
    %mul3A_38 = arith.muli %add3A, %mul3A_37 : i32
    %add3A_39 = arith.constant 0 : i32
    %add3A_40 = arith.addi %mul3A_38, %add3A_39 : i32
    %add3A_41 = arith.constant 1 : i32
    %add3A_42 = arith.addi %add3A_40, %add3A_41 : i32
    %add3A_43 = vector.broadcast %add3A_42 : i32 to vector<16xi32>
    %add3A_44 = arith.addi %iota3A, %add3A_43 : vector<16xi32>
    %mul3A_45 = arith.constant 10000 : i32
    %mul3A_46 = vector.broadcast %mul3A_45 : i32 to vector<16xi32>
    %mul3A_47 = arith.muli %add3A_44, %mul3A_46 : vector<16xi32>
    %mul3A_48 = arith.constant 16 : i32
    %mul3A_49 = vector.broadcast %mul3A_48 : i32 to vector<16xi32>
    %mul3A_50 = arith.muli %mul3A_47, %mul3A_49 : vector<16xi32>
    %swap3A = arith.constant 2416 : index
    %swap3A_51 = tpu.vector_load %arg10[%swap3A] {strides = array<i32>} : memref<2528xi32, #tpu.memory_space<vmem>>, vector<16xi32>,
    tpu.vector_store %arg10[%swap3A], %mul3A_50 {strides = array<i32>} : memref<2528xi32, #tpu.memory_space<vmem>>, vector<16xi32>,
    %mul3A_52 = arith.constant 112 : i32
    %mul3A_53 = arith.muli %add3A, %mul3A_52 : i32
    %add3A_54 = arith.constant 16 : i32
    %add3A_55 = arith.addi %mul3A_53, %add3A_54 : i32
    %add3A_56 = arith.constant 1 : i32
    %add3A_57 = arith.addi %add3A_55, %add3A_56 : i32
    %add3A_58 = vector.broadcast %add3A_57 : i32 to vector<16xi32>
    %add3A_59 = arith.addi %iota3A, %add3A_58 : vector<16xi32>
    %mul3A_60 = arith.constant 10000 : i32
    %mul3A_61 = vector.broadcast %mul3A_60 : i32 to vector<16xi32>
    %mul3A_62 = arith.muli %add3A_59, %mul3A_61 : vector<16xi32>
    %mul3A_63 = arith.constant 16 : i32
    %mul3A_64 = vector.broadcast %mul3A_63 : i32 to vector<16xi32>
    %mul3A_65 = arith.muli %mul3A_62, %mul3A_64 : vector<16xi32>
    %swap3A_66 = arith.constant 2432 : index
    %swap3A_67 = tpu.vector_load %arg10[%swap3A_66] {strides = array<i32>} : memref<2528xi32, #tpu.memory_space<vmem>>, vector<16xi32>,
    tpu.vector_store %arg10[%swap3A_66], %mul3A_65 {strides = array<i32>} : memref<2528xi32, #tpu.memory_space<vmem>>, vector<16xi32>,
    %mul3A_68 = arith.constant 112 : i32
    %mul3A_69 = arith.muli %add3A, %mul3A_68 : i32
    %add3A_70 = arith.constant 32 : i32
    %add3A_71 = arith.addi %mul3A_69, %add3A_70 : i32
    %add3A_72 = arith.constant 1 : i32
    %add3A_73 = arith.addi %add3A_71, %add3A_72 : i32
    %add3A_74 = vector.broadcast %add3A_73 : i32 to vector<16xi32>
    %add3A_75 = arith.addi %iota3A, %add3A_74 : vector<16xi32>
    %mul3A_76 = arith.constant 10000 : i32
    %mul3A_77 = vector.broadcast %mul3A_76 : i32 to vector<16xi32>
    %mul3A_78 = arith.muli %add3A_75, %mul3A_77 : vector<16xi32>
    %mul3A_79 = arith.constant 16 : i32
    %mul3A_80 = vector.broadcast %mul3A_79 : i32 to vector<16xi32>
    %mul3A_81 = arith.muli %mul3A_78, %mul3A_80 : vector<16xi32>
    %swap3A_82 = arith.constant 2448 : index
    %swap3A_83 = tpu.vector_load %arg10[%swap3A_82] {strides = array<i32>} : memref<2528xi32, #tpu.memory_space<vmem>>, vector<16xi32>,
    tpu.vector_store %arg10[%swap3A_82], %mul3A_81 {strides = array<i32>} : memref<2528xi32, #tpu.memory_space<vmem>>, vector<16xi32>,
    %mul3A_84 = arith.constant 112 : i32
    %mul3A_85 = arith.muli %add3A, %mul3A_84 : i32
    %add3A_86 = arith.constant 48 : i32
    %add3A_87 = arith.addi %mul3A_85, %add3A_86 : i32
    %add3A_88 = arith.constant 1 : i32
    %add3A_89 = arith.addi %add3A_87, %add3A_88 : i32
    %add3A_90 = vector.broadcast %add3A_89 : i32 to vector<16xi32>
    %add3A_91 = arith.addi %iota3A, %add3A_90 : vector<16xi32>
    %mul3A_92 = arith.constant 10000 : i32
    %mul3A_93 = vector.broadcast %mul3A_92 : i32 to vector<16xi32>
    %mul3A_94 = arith.muli %add3A_91, %mul3A_93 : vector<16xi32>
    %mul3A_95 = arith.constant 16 : i32
    %mul3A_96 = vector.broadcast %mul3A_95 : i32 to vector<16xi32>
    %mul3A_97 = arith.muli %mul3A_94, %mul3A_96 : vector<16xi32>
    %swap3A_98 = arith.constant 2464 : index
    %swap3A_99 = tpu.vector_load %arg10[%swap3A_98] {strides = array<i32>} : memref<2528xi32, #tpu.memory_space<vmem>>, vector<16xi32>,
    tpu.vector_store %arg10[%swap3A_98], %mul3A_97 {strides = array<i32>} : memref<2528xi32, #tpu.memory_space<vmem>>, vector<16xi32>,
    %mul3A_100 = arith.constant 112 : i32
    %mul3A_101 = arith.muli %add3A, %mul3A_100 : i32
    %add3A_102 = arith.constant 64 : i32
    %add3A_103 = arith.addi %mul3A_101, %add3A_102 : i32
    %add3A_104 = arith.constant 1 : i32
    %add3A_105 = arith.addi %add3A_103, %add3A_104 : i32
    %add3A_106 = vector.broadcast %add3A_105 : i32 to vector<16xi32>
    %add3A_107 = arith.addi %iota3A, %add3A_106 : vector<16xi32>
    %mul3A_108 = arith.constant 10000 : i32
    %mul3A_109 = vector.broadcast %mul3A_108 : i32 to vector<16xi32>
    %mul3A_110 = arith.muli %add3A_107, %mul3A_109 : vector<16xi32>
    %mul3A_111 = arith.constant 16 : i32
    %mul3A_112 = vector.broadcast %mul3A_111 : i32 to vector<16xi32>
    %mul3A_113 = arith.muli %mul3A_110, %mul3A_112 : vector<16xi32>
    %swap3A_114 = arith.constant 2480 : index
    %swap3A_115 = tpu.vector_load %arg10[%swap3A_114] {strides = array<i32>} : memref<2528xi32, #tpu.memory_space<vmem>>, vector<16xi32>,
    tpu.vector_store %arg10[%swap3A_114], %mul3A_113 {strides = array<i32>} : memref<2528xi32, #tpu.memory_space<vmem>>, vector<16xi32>,
    %mul3A_116 = arith.constant 112 : i32
    %mul3A_117 = arith.muli %add3A, %mul3A_116 : i32
    %add3A_118 = arith.constant 80 : i32
    %add3A_119 = arith.addi %mul3A_117, %add3A_118 : i32
    %add3A_120 = arith.constant 1 : i32
    %add3A_121 = arith.addi %add3A_119, %add3A_120 : i32
    %add3A_122 = vector.broadcast %add3A_121 : i32 to vector<16xi32>
    %add3A_123 = arith.addi %iota3A, %add3A_122 : vector<16xi32>
    %mul3A_124 = arith.constant 10000 : i32
    %mul3A_125 = vector.broadcast %mul3A_124 : i32 to vector<16xi32>
    %mul3A_126 = arith.muli %add3A_123, %mul3A_125 : vector<16xi32>
    %mul3A_127 = arith.constant 16 : i32
    %mul3A_128 = vector.broadcast %mul3A_127 : i32 to vector<16xi32>
    %mul3A_129 = arith.muli %mul3A_126, %mul3A_128 : vector<16xi32>
    %swap3A_130 = arith.constant 2496 : index
    %swap3A_131 = tpu.vector_load %arg10[%swap3A_130] {strides = array<i32>} : memref<2528xi32, #tpu.memory_space<vmem>>, vector<16xi32>,
    tpu.vector_store %arg10[%swap3A_130], %mul3A_129 {strides = array<i32>} : memref<2528xi32, #tpu.memory_space<vmem>>, vector<16xi32>,
    %mul3A_132 = arith.constant 112 : i32
    %mul3A_133 = arith.muli %add3A, %mul3A_132 : i32
    %add3A_134 = arith.constant 96 : i32
    %add3A_135 = arith.addi %mul3A_133, %add3A_134 : i32
    %add3A_136 = arith.constant 1 : i32
    %add3A_137 = arith.addi %add3A_135, %add3A_136 : i32
    %add3A_138 = vector.broadcast %add3A_137 : i32 to vector<16xi32>
    %add3A_139 = arith.addi %iota3A, %add3A_138 : vector<16xi32>
    %mul3A_140 = arith.constant 10000 : i32
    %mul3A_141 = vector.broadcast %mul3A_140 : i32 to vector<16xi32>
    %mul3A_142 = arith.muli %add3A_139, %mul3A_141 : vector<16xi32>
    %mul3A_143 = arith.constant 16 : i32
    %mul3A_144 = vector.broadcast %mul3A_143 : i32 to vector<16xi32>
    %mul3A_145 = arith.muli %mul3A_142, %mul3A_144 : vector<16xi32>
    %swap3A_146 = arith.constant 2512 : index
    %swap3A_147 = tpu.vector_load %arg10[%swap3A_146] {strides = array<i32>} : memref<2528xi32, #tpu.memory_space<vmem>>, vector<16xi32>,
    tpu.vector_store %arg10[%swap3A_146], %mul3A_145 {strides = array<i32>} : memref<2528xi32, #tpu.memory_space<vmem>>, vector<16xi32>,
    %dma_start3A_148 = arith.constant 7584 : i32
    %dma_start3A_149 = tpu.memref_slice %arg11[%dma_start3A_148] : memref<10112xi32, #tpu.memory_space<vmem>> -> memref<2528xi32, #tpu.memory_space<vmem>>
    %dma_start3A_150 = arith.constant 0 : i32
    %dma_start3A_151 = tpu.memref_slice %arg2[%dma_start3A_150] : memref<1600000000xi32, #tpu.memory_space<hbm>> -> memref<1600000000xi32, #tpu.memory_space<hbm>>
    tpu.enqueue_indirect_dma source(%dma_start3A_151 : memref<1600000000xi32, #tpu.memory_space<hbm>>) target(%dma_start3A_149 : memref<2528xi32, #tpu.memory_space<vmem>>) offsets(%arg10 : memref<2528xi32, #tpu.memory_space<vmem>>) semaphore(%arg16 : memref<!tpu.dma_semaphore, #tpu.memory_space<semaphore_mem>>)
    %broadcast_in_dim3A = arith.constant 0.000000e+00 : f32
    %broadcast_in_dim3A_152 = vector.broadcast %broadcast_in_dim3A : f32 to vector<16xf32>
    %scan3A_153 = arith.constant 0 : i32
    %scan3A_154 = arith.constant 640 : i32
    %scan3A_155 = arith.addi %scan3A_153, %scan3A_154 : i32
    %scan3A_156 = arith.constant 1 : i32
    scf.for %scan3A_178 = %scan3A_153 to %scan3A_155 step %scan3A_156  : i32 {
      %mul3A_179 = arith.constant 16 : i32
      %mul3A_180 = arith.muli %scan3A_178, %mul3A_179 : i32
      %swap3A_181 = arith.index_cast %mul3A_180 : i32 to index
      %swap3A_182 = tpu.vector_load %arg12[%swap3A_181] {strides = array<i32>} : memref<10240xf32, #tpu.memory_space<vmem>>, vector<16xf32>,
      tpu.vector_store %arg12[%swap3A_181], %broadcast_in_dim3A_152 {strides = array<i32>} : memref<10240xf32, #tpu.memory_space<vmem>>, vector<16xf32>,
    }
    %scan3A_157 = arith.constant 640 : i32
    %iota3A_158 = tpu.iota {dimensions = array<i32: 0>} : vector<16xi32>
    %mul3A_159 = arith.constant 10112 : i32
    %mul3A_160 = arith.muli %add3A, %mul3A_159 : i32
    %broadcast_in_dim3A_161 = arith.constant 1.000000e+00 : f32
    %broadcast_in_dim3A_162 = vector.broadcast %broadcast_in_dim3A_161 : f32 to vector<16xf32>
    %dma_wait3A = arith.constant 0 : i32
    %dma_wait3A_163 = tpu.memref_slice %arg11[%dma_wait3A] : memref<10112xi32, #tpu.memory_space<vmem>> -> memref<2528xi32, #tpu.memory_space<vmem>>
    %dma_wait3A_164 = arith.constant 0 : i32
    %dma_wait3A_165 = tpu.memref_slice %arg2[%dma_wait3A_164] : memref<1600000000xi32, #tpu.memory_space<hbm>> -> memref<1600000000xi32, #tpu.memory_space<hbm>>
    tpu.wait_indirect_dma semaphore(%arg13 : memref<!tpu.dma_semaphore, #tpu.memory_space<semaphore_mem>>) src(%dma_wait3A_165 : memref<1600000000xi32, #tpu.memory_space<hbm>>) dst(%dma_wait3A_163 : memref<2528xi32, #tpu.memory_space<vmem>>)
    %dma_wait3A_166 = arith.constant 2528 : i32
    %dma_wait3A_167 = tpu.memref_slice %arg11[%dma_wait3A_166] : memref<10112xi32, #tpu.memory_space<vmem>> -> memref<2528xi32, #tpu.memory_space<vmem>>
    %dma_wait3A_168 = arith.constant 0 : i32
    %dma_wait3A_169 = tpu.memref_slice %arg2[%dma_wait3A_168] : memref<1600000000xi32, #tpu.memory_space<hbm>> -> memref<1600000000xi32, #tpu.memory_space<hbm>>
    tpu.wait_indirect_dma semaphore(%arg14 : memref<!tpu.dma_semaphore, #tpu.memory_space<semaphore_mem>>) src(%dma_wait3A_169 : memref<1600000000xi32, #tpu.memory_space<hbm>>) dst(%dma_wait3A_167 : memref<2528xi32, #tpu.memory_space<vmem>>)
    %dma_wait3A_170 = arith.constant 5056 : i32
    %dma_wait3A_171 = tpu.memref_slice %arg11[%dma_wait3A_170] : memref<10112xi32, #tpu.memory_space<vmem>> -> memref<2528xi32, #tpu.memory_space<vmem>>
    %dma_wait3A_172 = arith.constant 0 : i32
    %dma_wait3A_173 = tpu.memref_slice %arg2[%dma_wait3A_172] : memref<1600000000xi32, #tpu.memory_space<hbm>> -> memref<1600000000xi32, #tpu.memory_space<hbm>>
    tpu.wait_indirect_dma semaphore(%arg15 : memref<!tpu.dma_semaphore, #tpu.memory_space<semaphore_mem>>) src(%dma_wait3A_173 : memref<1600000000xi32, #tpu.memory_space<hbm>>) dst(%dma_wait3A_171 : memref<2528xi32, #tpu.memory_space<vmem>>)
    %dma_wait3A_174 = arith.constant 7584 : i32
    %dma_wait3A_175 = tpu.memref_slice %arg11[%dma_wait3A_174] : memref<10112xi32, #tpu.memory_space<vmem>> -> memref<2528xi32, #tpu.memory_space<vmem>>
    %dma_wait3A_176 = arith.constant 0 : i32
    %dma_wait3A_177 = tpu.memref_slice %arg2[%dma_wait3A_176] : memref<1600000000xi32, #tpu.memory_space<hbm>> -> memref<1600000000xi32, #tpu.memory_space<hbm>>
    tpu.wait_indirect_dma semaphore(%arg16 : memref<!tpu.dma_semaphore, #tpu.memory_space<semaphore_mem>>) src(%dma_wait3A_177 : memref<1600000000xi32, #tpu.memory_space<hbm>>) dst(%dma_wait3A_175 : memref<2528xi32, #tpu.memory_space<vmem>>)
    "tpu.region"() ({
      %run_scoped3A = tpu.sem_alloc : memref<!tpu.dma_semaphore, #tpu.memory_space<semaphore_mem>>
      %dma_start3A_178 = arith.constant 0 : i32
      %dma_start3A_179 = tpu.memref_slice %arg4[%add3A, %dma_start3A_178] : memref<32x10240xf32, #tpu.memory_space<hbm>> -> memref<1x10240xf32, #tpu.memory_space<hbm>>
      %dma_start3A_180 = tpu.memref_squeeze %dma_start3A_179 : memref<1x10240xf32, #tpu.memory_space<hbm>> -> memref<10240xf32, #tpu.memory_space<hbm>>
      %dma_start3A_181 = arith.constant 0 : i32
      %dma_start3A_182 = tpu.memref_slice %arg4[%add3A, %dma_start3A_181] : memref<32x10240xf32, #tpu.memory_space<hbm>> -> memref<1x10240xf32, #tpu.memory_space<hbm>>
      %dma_start3A_183 = tpu.memref_squeeze %dma_start3A_182 : memref<1x10240xf32, #tpu.memory_space<hbm>> -> memref<10240xf32, #tpu.memory_space<hbm>>
      tpu.enqueue_dma source(%arg12 : memref<10240xf32, #tpu.memory_space<vmem>>) target(%dma_start3A_183 : memref<10240xf32, #tpu.memory_space<hbm>>) target_semaphore(%run_scoped3A : memref<!tpu.dma_semaphore, #tpu.memory_space<semaphore_mem>>)
      %dma_wait3A_184 = arith.constant 0 : i32
      %dma_wait3A_185 = tpu.memref_slice %arg4[%add3A, %dma_wait3A_184] : memref<32x10240xf32, #tpu.memory_space<hbm>> -> memref<1x10240xf32, #tpu.memory_space<hbm>>
      %dma_wait3A_186 = tpu.memref_squeeze %dma_wait3A_185 : memref<1x10240xf32, #tpu.memory_space<hbm>> -> memref<10240xf32, #tpu.memory_space<hbm>>
      %dma_wait3A_187 = arith.constant 0 : i32
      %dma_wait3A_188 = tpu.memref_slice %arg4[%add3A, %dma_wait3A_187] : memref<32x10240xf32, #tpu.memory_space<hbm>> -> memref<1x10240xf32, #tpu.memory_space<hbm>>
      %dma_wait3A_189 = tpu.memref_squeeze %dma_wait3A_188 : memref<1x10240xf32, #tpu.memory_space<hbm>> -> memref<10240xf32, #tpu.memory_space<hbm>>
      tpu.wait_dma2 semaphore(%run_scoped3A : memref<!tpu.dma_semaphore, #tpu.memory_space<semaphore_mem>>) src(%arg12 : memref<10240xf32, #tpu.memory_space<vmem>>) dst(%dma_wait3A_189 : memref<10240xf32, #tpu.memory_space<hbm>>)
      tpu.yield
    }) : () -> ()
    return
  }
}

module attributes {stable_mosaic.version = 14 : i64} {
  func.func @_dense_kernel(%arg0: i32, %arg1: memref<1280x128xf32, #tpu.memory_space<vmem>>, %arg2: memref<32x1280xf32, #tpu.memory_space<vmem>>, %arg3: memref<128x128xf32, #tpu.memory_space<vmem>>, %arg4: memref<128x128xf32, #tpu.memory_space<vmem>>, %arg5: memref<1x128xf32, #tpu.memory_space<vmem>>, %arg6: memref<1x128xf32, #tpu.memory_space<vmem>>, %arg7: memref<1x1xf32, #tpu.memory_space<vmem>>, %arg8: memref<1x1xf32, #tpu.memory_space<vmem>>, %arg9: memref<1280x128xf32, #tpu.memory_space<vmem>>) attributes {dimension_semantics = [#tpu.dimension_semantics<arbitrary>], iteration_bounds = array<i64: 8>, scalar_prefetch = 0 : i64, scratch_operands = 0 : i64, tpu.core_type = #tpu.core_type<tc>, window_params = [{transform_indices = @transform_0, window_bounds = array<i64: 1280, 128>}, {transform_indices = @transform_1, window_bounds = array<i64: 32, 1280>}, {pipeline_mode = #tpu.pipeline_mode<synchronous>, transform_indices = @transform_2, window_bounds = array<i64: 128, 128>}, {pipeline_mode = #tpu.pipeline_mode<synchronous>, transform_indices = @transform_3, window_bounds = array<i64: 128, 128>}, {pipeline_mode = #tpu.pipeline_mode<synchronous>, transform_indices = @transform_4, window_bounds = array<i64: 1, 128>}, {pipeline_mode = #tpu.pipeline_mode<synchronous>, transform_indices = @transform_5, window_bounds = array<i64: 1, 128>}, {pipeline_mode = #tpu.pipeline_mode<synchronous>, transform_indices = @transform_6, window_bounds = array<i64: 1, 1>}, {pipeline_mode = #tpu.pipeline_mode<synchronous>, transform_indices = @transform_7, window_bounds = array<i64: 1, 1>}, {transform_indices = @transform_8, window_bounds = array<i64: 1280, 128>}]} {
    %get3A = arith.constant 0 : index
    %get3A_0 = arith.constant 0 : index
    %get3A_1 = vector.load %arg2[%get3A, %get3A_0] : memref<32x1280xf32, #tpu.memory_space<vmem>>, vector<32x1280xf32>
    %reduce_sum3A = arith.constant dense<0.000000e+00> : vector<1280xf32>
    %reduce_sum3A_2 = vector.multi_reduction <add>, %get3A_1, %reduce_sum3A [0] : vector<32x1280xf32> to vector<1280xf32>
    %sqrt3A = math.sqrt %reduce_sum3A_2 : vector<1280xf32>
    %get3A_3 = arith.constant 0 : index
    %get3A_4 = arith.constant 0 : index
    %get3A_5 = vector.load %arg7[%get3A_3, %get3A_4] : memref<1x1xf32, #tpu.memory_space<vmem>>, vector<1x1xf32>
    %get3A_6 = vector.extract %get3A_5[0, 0] : f32 from vector<1x1xf32>
    %mul3A = vector.broadcast %get3A_6 : f32 to vector<1280xf32>
    %mul3A_7 = arith.mulf %sqrt3A, %mul3A : vector<1280xf32>
    %cos3A = math.cos %mul3A_7 : vector<1280xf32>
    %broadcast_in_dim3A = vector.shape_cast %cos3A : vector<1280xf32> to vector<1280x1xf32>
    %get3A_8 = arith.constant 0 : index
    %get3A_9 = arith.constant 0 : index
    %get3A_10 = vector.load %arg8[%get3A_8, %get3A_9] : memref<1x1xf32, #tpu.memory_space<vmem>>, vector<1x1xf32>
    %get3A_11 = vector.extract %get3A_10[0, 0] : f32 from vector<1x1xf32>
    %mul3A_12 = vector.broadcast %get3A_11 : f32 to vector<1280xf32>
    %mul3A_13 = arith.mulf %sqrt3A, %mul3A_12 : vector<1280xf32>
    %cos3A_14 = math.cos %mul3A_13 : vector<1280xf32>
    %broadcast_in_dim3A_15 = vector.shape_cast %cos3A_14 : vector<1280xf32> to vector<1280x1xf32>
    %get3A_16 = arith.constant 0 : index
    %get3A_17 = arith.constant 0 : index
    %get3A_18 = vector.load %arg1[%get3A_16, %get3A_17] : memref<1280x128xf32, #tpu.memory_space<vmem>>, vector<1280x128xf32>
    %get3A_19 = arith.constant 0 : index
    %get3A_20 = arith.constant 0 : index
    %get3A_21 = vector.load %arg3[%get3A_19, %get3A_20] : memref<128x128xf32, #tpu.memory_space<vmem>>, vector<128x128xf32>
    %dot_general3A = arith.constant dense<0.000000e+00> : vector<1280x128xf32>
    %dot_general3A_22 = tpu.matmul %get3A_18, %get3A_21, %dot_general3A {dimension_numbers = #tpu.dot_dimension_numbers<[1], [1], [0], [0], [0, 0, 1, 0], [], []>, transpose_lhs_hint = false} : vector<1280x128xf32>, vector<128x128xf32>, vector<1280x128xf32> -> vector<1280x128xf32>
    %mul3A_23 = vector.broadcast %broadcast_in_dim3A : vector<1280x1xf32> to vector<1280x128xf32>
    %mul3A_24 = arith.mulf %mul3A_23, %dot_general3A_22 : vector<1280x128xf32>
    %get3A_25 = arith.constant 0 : index
    %get3A_26 = arith.constant 0 : index
    %get3A_27 = vector.load %arg5[%get3A_25, %get3A_26] : memref<1x128xf32, #tpu.memory_space<vmem>>, vector<1x128xf32>
    %add3A = vector.broadcast %get3A_27 : vector<1x128xf32> to vector<1280x128xf32>
    %add3A_28 = arith.addf %mul3A_24, %add3A : vector<1280x128xf32>
    %max3A = arith.constant 0.000000e+00 : f32
    %max3A_29 = vector.broadcast %max3A : f32 to vector<1280x128xf32>
    %max3A_30 = arith.maximumf %add3A_28, %max3A_29 : vector<1280x128xf32>
    %get3A_31 = arith.constant 0 : index
    %get3A_32 = arith.constant 0 : index
    %get3A_33 = vector.load %arg4[%get3A_31, %get3A_32] : memref<128x128xf32, #tpu.memory_space<vmem>>, vector<128x128xf32>
    %dot_general3A_34 = arith.constant dense<0.000000e+00> : vector<1280x128xf32>
    %dot_general3A_35 = tpu.matmul %max3A_30, %get3A_33, %dot_general3A_34 {dimension_numbers = #tpu.dot_dimension_numbers<[1], [1], [0], [0], [0, 0, 1, 0], [], []>, transpose_lhs_hint = false} : vector<1280x128xf32>, vector<128x128xf32>, vector<1280x128xf32> -> vector<1280x128xf32>
    %mul3A_36 = vector.broadcast %broadcast_in_dim3A_15 : vector<1280x1xf32> to vector<1280x128xf32>
    %mul3A_37 = arith.mulf %mul3A_36, %dot_general3A_35 : vector<1280x128xf32>
    %get3A_38 = arith.constant 0 : index
    %get3A_39 = arith.constant 0 : index
    %get3A_40 = vector.load %arg6[%get3A_38, %get3A_39] : memref<1x128xf32, #tpu.memory_space<vmem>>, vector<1x128xf32>
    %add3A_41 = vector.broadcast %get3A_40 : vector<1x128xf32> to vector<1280x128xf32>
    %add3A_42 = arith.addf %mul3A_37, %add3A_41 : vector<1280x128xf32>
    %reduce_max3A = arith.constant dense<0xFF800000> : vector<1280xf32>
    %reduce_max3A_43 = vector.multi_reduction <maximumf>, %add3A_42, %reduce_max3A [1] : vector<1280x128xf32> to vector<1280xf32>
    %broadcast_in_dim3A_44 = vector.shape_cast %reduce_max3A_43 : vector<1280xf32> to vector<1280x1xf32>
    %sub3A = vector.broadcast %broadcast_in_dim3A_44 : vector<1280x1xf32> to vector<1280x128xf32>
    %sub3A_45 = arith.subf %add3A_42, %sub3A : vector<1280x128xf32>
    %exp3A = math.exp %sub3A_45 : vector<1280x128xf32>
    %reduce_sum3A_46 = arith.constant dense<0.000000e+00> : vector<1280xf32>
    %reduce_sum3A_47 = vector.multi_reduction <add>, %exp3A, %reduce_sum3A_46 [1] : vector<1280x128xf32> to vector<1280xf32>
    %broadcast_in_dim3A_48 = vector.shape_cast %reduce_sum3A_47 : vector<1280xf32> to vector<1280x1xf32>
    %sub3A_49 = vector.broadcast %broadcast_in_dim3A_44 : vector<1280x1xf32> to vector<1280x128xf32>
    %sub3A_50 = arith.subf %add3A_42, %sub3A_49 : vector<1280x128xf32>
    %log3A = math.log %broadcast_in_dim3A_48 : vector<1280x1xf32>
    %sub3A_51 = vector.broadcast %log3A : vector<1280x1xf32> to vector<1280x128xf32>
    %sub3A_52 = arith.subf %sub3A_50, %sub3A_51 : vector<1280x128xf32>
    %swap3A = arith.constant 0 : index
    %swap3A_53 = arith.constant 0 : index
    %swap3A_54 = vector.load %arg9[%swap3A, %swap3A_53] : memref<1280x128xf32, #tpu.memory_space<vmem>>, vector<1280x128xf32>
    tpu.vector_store %arg9[%swap3A, %swap3A_53], %sub3A_52 {strides = array<i32>} : memref<1280x128xf32, #tpu.memory_space<vmem>>, vector<1280x128xf32>,
    return
  }
  func.func @transform_0(%arg0: i32) -> (i32, i32) {
    %c0_i32 = arith.constant 0 : i32
    %c0_i32_0 = arith.constant 0 : i32
    return %arg0, %c0_i32 : i32, i32
  }
  func.func @transform_1(%arg0: i32) -> (i32, i32) {
    %c0_i32 = arith.constant 0 : i32
    %c0_i32_0 = arith.constant 0 : i32
    return %c0_i32, %arg0 : i32, i32
  }
  func.func @transform_2(%arg0: i32) -> (i32, i32) {
    %c0_i32 = arith.constant 0 : i32
    %c0_i32_0 = arith.constant 0 : i32
    %c0_i32_1 = arith.constant 0 : i32
    return %c0_i32, %c0_i32_0 : i32, i32
  }
  func.func @transform_3(%arg0: i32) -> (i32, i32) {
    %c0_i32 = arith.constant 0 : i32
    %c0_i32_0 = arith.constant 0 : i32
    %c0_i32_1 = arith.constant 0 : i32
    return %c0_i32, %c0_i32_0 : i32, i32
  }
  func.func @transform_4(%arg0: i32) -> (i32, i32) {
    %c0_i32 = arith.constant 0 : i32
    %c0_i32_0 = arith.constant 0 : i32
    %c0_i32_1 = arith.constant 0 : i32
    return %c0_i32, %c0_i32_0 : i32, i32
  }
  func.func @transform_5(%arg0: i32) -> (i32, i32) {
    %c0_i32 = arith.constant 0 : i32
    %c0_i32_0 = arith.constant 0 : i32
    %c0_i32_1 = arith.constant 0 : i32
    return %c0_i32, %c0_i32_0 : i32, i32
  }
  func.func @transform_6(%arg0: i32) -> (i32, i32) {
    %c0_i32 = arith.constant 0 : i32
    %c0_i32_0 = arith.constant 0 : i32
    %c0_i32_1 = arith.constant 0 : i32
    return %c0_i32, %c0_i32_0 : i32, i32
  }
  func.func @transform_7(%arg0: i32) -> (i32, i32) {
    %c0_i32 = arith.constant 0 : i32
    %c0_i32_0 = arith.constant 0 : i32
    %c0_i32_1 = arith.constant 0 : i32
    return %c0_i32, %c0_i32_0 : i32, i32
  }
  func.func @transform_8(%arg0: i32) -> (i32, i32) {
    %c0_i32 = arith.constant 0 : i32
    %c0_i32_0 = arith.constant 0 : i32
    return %arg0, %c0_i32 : i32, i32
  }
}

</mosaic_0001>

<sc_bundles>
// kernel: kernel.5.cloned.1.call-start
scs
__scs_entry_jumppad:
0x0: {  	(pc) =	sbr.rel $0x88, $3  }
0x1: {  	(tag) =	ssettag $0x0;
	lr =	simm.s32 $0x1  }
0x2: {  	[smem:$0x3F99] =	sst lr;
	_ =	strace $0xD0000000  }
0x3: {  	_ = 	snop  }
0x4: {  	_ = 	snop  }
0x5: {  	_ = 	snop  }
0x6: {  	_ = 	snop  }
0x7: {  	_ = 	snop  }
__scs_overlays_trampoline_lowered:
0x8: {  	[smem:$0x3FA8] =	sst s0  }
0x9: {  	[smem:$0x3FA9] =	sst s1  }
0xa: {  	[smem:$0x3FAA] =	sst s2  }
0xb: {  	[smem:$0x3FAB] =	sst s3  }
0xc: {  	[smem:$0x3FAC] =	sst s4  }
0xd: {  	[smem:$0x3FAD] =	sst s5  }
0xe: {  	[smem:$0x3FAE] =	sst s6  }
0xf: {  	[smem:$0x3FAF] =	sst s7  }
0x10: {  	[smem:$0x3FB0] =	sst s8  }
0x11: {  	[smem:$0x3FB1] =	sst s9;
	s0 =	simm.s32 @!p0 $0x0  }
0x12: {  	s1 =	sld [smem:$0x3F97];
	s0 =	simm.s32 @p0 $0x1  }
0x13: {  	[smem:$0x3FB2] =	sst s0;
	s0 =	simm.s32 @!p1 $0x0  }
0x14: {  	s2 =	sld [smem:$0x3F96];
	s0 =	simm.s32 @p1 $0x1  }
0x15: {  	[smem:$0x3FB3] =	sst s0;
	s0 =	simm.s32 @!p2 $0x0  }
0x16: {  	s3 =	sld [smem:$0x3FDB];
	s0 =	simm.s32 @p2 $0x1  }
0x17: {  	s4 =	simm.s32 $0x1BF5;
	[smem:$0x3FB5] =	sst s0  }
0x18: {  	s0 =	sld [smem:$0x3F98];
	_ =	swait.ge [sflag:s4], $0x0  }
0x19: {  	s7 =	sld [smem:$0x3F99]  }
0x1a: {  	s8 =	sadd.s32 $0xFFFFE003, lr  }
0x1b: {  	s9 =	sadd.s32 $0xFFFFFEF7, lr;
	s5 =	simm.s32 $0xFFFFFFFF;
	p2 =	slt.u32 s8, $0xFFFFF086  }
0x1c: {  	p1 =	slt.u32 s9, $0xF7A;
	s5 =	simm.s32 @!p2 $0x0  }
0x1d: {  	s5 =	simm.s32 @p1 $0x1;
	p0 =	seq.s32 s7, s2  }
0x1e: {  	s7 =	smul.u32 @!p0 $0xF7A, s2;
	p2 =	seq.s32 @!p0 s5, $0x0  }
0x1f: {  	s9 =	smul.u32 $0xF7A, s1;
	s8 =	simm.s32 @!p0 $0x1BF5;
	p2 =	por !p2, p0  }
0x20: {  	[sflag:s8] =	ssyncset.s32 @!p0 $0xFFFFF086;
	s6 =	sadd.s32 @!p0 s3, s7;
	s7 =	simm.s32 @!p0 $0x108  }
0x21: {  	s3 =	sadd.s32 s3, s9;
	s6 =	sadd.s32 @!p0 $0x88, s6;
	s7 =	simm.s32 @p2 $0x1082  }
0x22: {  	[simem:s7], [sflag:s8] =	dma.local @!p0 [hbm:s6], $0xF7A  }
0x23: {  	s9 =	sor.u32 $0xD0000000, s2;
	s6 =	simm.s32 $0x108;
	_ =	swait.ge @!p0 [sflag:s8], $0x0  }
0x24: {  	s3 =	sadd.s32 $0x88, s3;
	s6 =	simm.s32 @!p1 $0x1082;
	[sflag:s4] =	ssyncset.s32 $0xFFFFF086  }
0x25: {  	[simem:s6], [sflag:s4] =	dma.local [hbm:s3], $0xF7A  }
0x26: {  	[smem:$0x3F99] =	sst s1;
	(tag) =	ssettag s2;
	_ =	strace s9  }
0x27: {  	s1 =	sld [smem:$0x3FA9]  }
0x28: {  	s2 =	sld [smem:$0x3FAA]  }
0x29: {  	s4 =	sld [smem:$0x3FAC]  }
0x2a: {  	p0 =	seq.s32 s5, $0x0;
	s5 =	sld [smem:$0x3FAD]  }
0x2b: {  	s6 =	sld [smem:$0x3FAE]  }
0x2c: {  	s7 =	sld [smem:$0x3FAF]  }
0x2d: {  	s3 =	simm.s32 $0x108;
	s8 =	sld [smem:$0x3FB0]  }
0x2e: {  	s3 =	simm.s32 @!p0 $0x1082;
	s9 =	sld [smem:$0x3FB1]  }
0x2f: {  	lr =	sadd.s32 s0, s3;
	s0 =	sld [smem:$0x3FA8]  }
0x30: {  	s3 =	sld [smem:$0x3FAB]  }
0x31: {  	[smem:$0x3FB4] =	sst s10  }
0x32: {  	s10 =	sld [smem:$0x3FB2];
	_ =	sdelay $0x3  }
0x33: {  	p0 =	seq.s32 s10, $0x1;
	s10 =	sld [smem:$0x3FB4];
	_ =	sdelay $0x3  }
0x34: {  	[smem:$0x3FB4] =	sst s10  }
0x35: {  	s10 =	sld [smem:$0x3FB3];
	_ =	sdelay $0x3  }
0x36: {  	p1 =	seq.s32 s10, $0x1;
	s10 =	sld [smem:$0x3FB4];
	_ =	sdelay $0x3  }
0x37: {  	[smem:$0x3FB4] =	sst s10  }
0x38: {  	s10 =	sld [smem:$0x3FB5]  }
0x39: {  	_ = 	snop;
	(pc) =	sbr.ind lr, $3  }
0x3a: {  	_ = 	snop  }
0x3b: {  	_ = 	snop  }
0x3c: {  	p2 =	seq.s32 s10, $0x1;
	s10 =	sld [smem:$0x3FB4]  }
0x3d: {  	_ =	shalt  }
0x3e: {  	_ =	shalt  }
0x3f: {  	_ =	shalt  }
0x40: {  	_ =	shalt  }
0x41: {  	_ =	shalt  }
0x42: {  	_ =	shalt  }
0x43: {  	_ =	shalt  }
0x44: {  	_ =	shalt  }
0x45: {  	_ =	shalt  }
0x46: {  	_ =	shalt  }
0x47: {  	_ =	shalt  }
0x48: {  	_ =	shalt  }
0x49: {  	_ =	shalt  }
0x4a: {  	_ =	shalt  }
0x4b: {  	_ =	shalt  }
0x4c: {  	_ =	shalt  }
0x4d: {  	_ =	shalt  }
0x4e: {  	_ =	shalt  }
0x4f: {  	_ =	shalt  }
0x50: {  	_ =	shalt  }
0x51: {  	_ =	shalt  }
0x52: {  	_ =	shalt  }
0x53: {  	_ =	shalt  }
0x54: {  	_ =	shalt  }
0x55: {  	_ =	shalt  }
0x56: {  	_ =	shalt  }
0x57: {  	_ =	shalt  }
0x58: {  	_ =	shalt  }
0x59: {  	_ =	shalt  }
0x5a: {  	_ =	shalt  }
0x5b: {  	_ =	shalt  }
0x5c: {  	_ =	shalt  }
0x5d: {  	_ =	shalt  }
0x5e: {  	_ =	shalt  }
0x5f: {  	_ =	shalt  }
0x60: {  	_ =	shalt  }
0x61: {  	_ =	shalt  }
0x62: {  	_ =	shalt  }
0x63: {  	_ =	shalt  }
0x64: {  	_ =	shalt  }
0x65: {  	_ =	shalt  }
0x66: {  	_ =	shalt  }
0x67: {  	_ =	shalt  }
0x68: {  	_ =	shalt  }
0x69: {  	_ =	shalt  }
0x6a: {  	_ =	shalt  }
0x6b: {  	_ =	shalt  }
0x6c: {  	_ =	shalt  }
0x6d: {  	_ =	shalt  }
0x6e: {  	_ =	shalt  }
0x6f: {  	_ =	shalt  }
0x70: {  	_ =	shalt  }
0x71: {  	_ =	shalt  }
0x72: {  	_ =	shalt  }
0x73: {  	_ =	shalt  }
0x74: {  	_ =	shalt  }
0x75: {  	_ =	shalt  }
0x76: {  	_ =	shalt  }
0x77: {  	_ =	shalt  }
0x78: {  	_ =	shalt  }
0x79: {  	_ =	shalt  }
0x7a: {  	_ =	shalt  }
0x7b: {  	_ =	shalt  }
0x7c: {  	_ =	shalt  }
0x7d: {  	_ =	shalt  }
0x7e: {  	_ =	shalt  }
0x7f: {  	_ =	shalt  }
0x80: {  	_ =	shalt  }
0x81: {  	_ =	shalt  }
0x82: {  	_ =	shalt  }
0x83: {  	_ =	shalt  }
0x84: {  	_ =	shalt  }
0x85: {  	_ =	shalt  }
0x86: {  	_ =	shalt  }
0x87: {  	_ =	shalt  }
.Lfunc_end0:
.L_simem_size_0:
called_computation_lowered:
.L_overlay_start_0:
0x88: {  	s2 =	sld [smem:$0x3FD9]  }
0x89: {  	s3 =	sld [smem:$0x3FFE];
	_ =	sdelay $0x1  }
0x8a: {  	s1 =	srdreg.scid  }
0x8b: {  	s0 =	sand.u32 $0x1, s1  }
0x8c: {  	s17 =	sshll.u32 s0, $0xA;
	s2 =	sadd.s32 s3, s2  }
0x8d: {  	s2 =	sadd.s32 s2, s17  }
0x8e: {  	[smem:$0x3FC0] =	sst s2  }
0x8f: {  	_ = 	snop  }
0x90: {  	s2 =	sld [smem:$0x3FD0];
	(tm) =	ssettm $0x1  }
0x91: {  	s18 =	sld [smem:$0x3FFB];
	_ =	sdelay $0x3  }
0x92: {  	_ =	strace s18  }
0x93: {  	s3 =	sld [smem:$0x3FFC];
	_ =	sdelay $0x3  }
0x94: {  	_ =	strace s3  }
0x95: {  	s3 =	sld [smem:$0x3FFD];
	_ =	sdelay $0x3  }
0x96: {  	_ =	strace s3  }
0x97: {  	_ =	strace $0x8FFFFFFF  }
0x98: {  	s19 =	sld [smem:$0x3FDB];
	_ =	sdelay $0x1  }
0x99: {  	s4 =	simm.s32 $_scs_section_size  }
0x9a: {  	s5 =	simm.s32 $_size__tile_overlayer_lowered;
	s6 =	simm.s32 $_tile_overlayer_lowered  }
0x9b: {  	s22 =	simm.s32 $0x1BFF;
	s21 =	sshll.u32 s6, $0x1;
	s3 =	sadd.s32 s4, s19  }
0x9c: {  	s7 =	simm.s32 $0x0;
	s20 =	sshll.u32 s5, $0x1;
	s5 =	sadd.s32 s21, s3  }
0x9d: {  	[timem:s7], [sflag:s22] =	dma.local [hbm:s5], s20  }
0x9e: {  	_ =	swait.ge [sflag:s22], s20  }
0x9f: {  	s4 =	ssub.s32 $0x0, s20;
	[sflag:s22] =	ssyncset.done $0x0  }
0xa0: {  	[sflag:s22] =	ssyncadd.s32 s4;
	_ =	sdelay $0x1  }
0xa1: {  	s23 =	simm.s32 $0x1B8B  }
0xa2: {  	_ =	swait.ge [sflag:s23], $0x1  }
0xa3: {  	[sflag:s23] =	ssyncset.done $0x0  }
0xa4: {  	s25 =	simm.s32 $0x1B8E;
	s24 =	sld [smem:$0x3FFE];
	[sflag:s23] =	ssyncadd.s32 $0xFFFFFFFF  }
0xa5: {  	s26 =	simm.s32 $execute0_lowered;
	[smem:$0x3FD2] =	sst s25  }
0xa6: {  	s5 =	sshll.u32 s26, $0x1;
	_ =	strace $0x80000046;
	[dreg:$0x1] =	wrdreg $0xFFFFFFFF  }
0xa7: {  	s28 =	simm.s32 $_size_execute0_lowered;
	s3 =	sadd.s32 s3, s5;
	[dreg:$0x0] =	wrdreg $0x0  }
0xa8: {  	s5 =	sshll.u32 s28, $0x1;
	[dreg:$0x2] =	wrdreg s3  }
0xa9: {  	[dreg:$0x3] =	wrdreg s5  }
0xaa: {  	[dreg:$0x4] =	wrdreg $0xC0  }
0xab: {  	_ =	task [dreg:s7], $0x5FFFF  }
0xac: {  	[dreg:$0x1] =	wrdreg $0xFFFFFFFF  }
0xad: {  	[dreg:$0x0] =	wrdreg $0x60  }
0xae: {  	[dreg:$0x2] =	wrdreg s2  }
0xaf: {  	[dreg:$0x3] =	wrdreg s24  }
0xb0: {  	[dreg:$0x4] =	wrdreg $0x9  }
0xb1: {  	_ =	task.clear_ibuf [dreg:s7], $0x5FFFF;
	_ =	strace $0x90000046  }
0xb2: {  	s29 =	simm.s32 $0x9;
	_ =	strace $0x80000048  }
0xb3: {  	_ =	swait.ge [sflag:s29], $0x1  }
0xb4: {  	[sflag:s29] =	ssyncadd.s32 $0xFFFFFFFF  }
0xb5: {  	_ =	strace $0x90000048  }
0xb6: {  	_ =	sfence  }
0xb7: {  	s30 =	sld [smem:$0x0];
	_ =	sdelay $0x2  }
0xb8: {  	s31 =	sshll.u32 s1, $0xD;
	s1 =	sshrl.u32 s1, $0x2  }
0xb9: {  	s3 =	sand.u32 $0x4000, s31;
	s1 =	sadd.s32 s1, s30  }
0xba: {  	s0 =	sor.u32 s3, s0;
	s1 =	sshll.u32 s1, $0x11  }
0xbb: {  	s0 =	sor.u32 s1, s0  }
0xbc: {  	s0 =	sadd.s32 $0x8F2B, s0  }
0xbd: {  	[sflag:s0] =	ssyncadd.remote.s32 $0x1  }
0xbe: {  	_ =	sfence.sel $0xFFFF  }
0xbf: {  	[dreg:$0x0] =	wrdreg $0xFFFFFFFF;
	(pc) =	sbr.abs _section_cstart, $3  }
0xc0: {  	[dreg:$0x1] =	wrdreg $0xFFFFFFFF  }
0xc1: {  	_ =	task.clear_ibuf [dreg:s7], $0x2FFFF;
	_ =	strace $0x9FFFFFFF  }
0xc2: {  	(tm) =	ssettm $0x7FFFFFFF  }
0xc3: {  	_ =	shalt  }
tec
execute0_lowered:
.L_overlay_start_1:
0x0: {  	(tag) =	ssettag $0x1  }
0x1: {  	s1 =	srdreg.scid;
	s0 =	stileid.u32  }
0x2: {  	s4 =	sand.u32 $0x1, s1;
	s23 =	sshll.u32 s0, $0x1  }
0x3: {  	s5 =	sor.u32 s4, s23  }
0x4: {  	s6 =	rddreg [dreg:$0x0];
	s7 =	smul.u32 $0x70, s5  }
0x5: {  	s3 =	rddreg [dreg:$0x1];
	s2 =	simm.s32 $0x0;
	s12 =	simm.s32 $0x2780  }
0x6: {  	s13 =	simm.s32 $0x7680;
	s8 =	sor.u32 $0x1, s7;
	s24 =	sadd.s32 $0x11, s7  }
0x7: {  	s26 =	sadd.s32 $0x21, s7;
	s28 =	sadd.s32 $0x31, s7;
	s29 =	sadd.s32 $0x41, s7;
	v0 =	vmov s8;
	v2 =	vmov s24  }
0x8: {  	s14 =	simm.s32 $0x9E0;
	s31 =	sadd.s32 $0x51, s7;
	s7 =	sadd.s32 $0x61, s7;
	v3 =	vmov s26;
	v4 =	vmov s28;
	v5 =	vmov s29  }
0x9: {  	s15 =	simm.s32 $0x4F00;
	s16 =	simm.s32 $0x11480;
	s17 =	simm.s32 $0x58E0;
	v6 =	vmov s31;
	v8 =	vmov s7;
	v1 =	vmul.u32 $0x2710, v0  }
0xa: {  	s18 =	simm.s32 $0x1;
	s19 =	simm.s32 $0x62C0;
	s20 =	simm.s32 $0x2;
	v0 =	vlaneseq.u32;
	v2 =	vmul.u32 $0x2710, v2;
	v3 =	vmul.u32 $0x2710, v3  }
0xb: {  	s21 =	simm.s32 $0x6CA0;
	s22 =	simm.s32 $0x0;
	s1 =	rddreg [dreg:$0x2];
	v4 =	vmul.u32 $0x2710, v4;
	v5 =	vmul.u32 $0x2710, v5;
	v6 =	vmul.u32 $0x2710, v6  }
0xc: {  	[smem:$0x7FF] =	sst s2;
	s9 =	ssub.s32 $0x2, s4;
	s5 =	smul.u32 $0x2710, s5;
	v8 =	vmul.u32 $0x2710, v8;
	v1 =	vbroadcast v1, $0x0;
	v2 =	vbroadcast v2, $0x0  }
0xd: {  	s3 =	sadd.s32 $0x1400, s3;
	s11 =	smul.u32 $0x4F00, s0;
	s10 =	sshrl.u32 s9, $0x1;
	v7 =	vmul.u32 $0x2710, v0;
	v3 =	vbroadcast v3, $0x0;
	v4 =	vbroadcast v4, $0x0  }
0xe: {  	s30 =	smul.u32 $0x2780, s4;
	s25 =	ssub.s32 s9, s10;
	s5 =	sshrl.u32 s5, $0x3;
	v5 =	vbroadcast v5, $0x0;
	v6 =	vbroadcast v6, $0x0  }
0xf: {  	_ =	strace $0x80000047;
	s4 =	sadd.s32 s6, s5;
	s6 =	smax.u32 s25, $0x1;
	v8 =	vbroadcast v8, $0x0;
	v1 =	vadd.s32 v7, v1;
	v2 =	vadd.s32 v7, v2  }
0x10: {  	s7 =	sadd.s32 s30, s11;
	s11 =	simm.s32 $0x3;
	s5 =	sadd.s32 $0x9C40, s4;
	v3 =	vadd.s32 v7, v3;
	v4 =	vadd.s32 v7, v4;
	v5 =	vadd.s32 v7, v5  }
0x11: {  	s8 =	sadd.s32 $0x9E0, s7;
	s9 =	sadd.s32 $0x13C0, s7;
	s10 =	sadd.s32 $0x1DA0, s7;
	v6 =	vadd.s32 v7, v6;
	v7 =	vadd.s32 v7, v8;
	v8 =	vmul.u32 $0x10, v0  }
.LBB2_1:
0x12: {  	[tilespmem:s2], [sflag:$0x3] =	stream.linear.gather [hbm4b:s4+s2], $0x2710, $0x38;
	[tilespmem:$0x1B280] =	vst v63  }
0x13: {  	_ =	swait.ge [sflag:s11], $0x2710  }
0x14: {  	[sflag:s11] =	ssyncset.done $0x0  }
0x15: {  	[sflag:s11] =	ssyncadd.s32 $0xFFFFD8F0  }
0x16: {  	[tilespmem:s12], [sflag:$0x3] =	stream.linear.gather [hbm4b:s5+s2], $0x2710, $0x38;
	[tilespmem:$0x1B280] =	vst v63  }
0x17: {  	_ =	swait.ge [sflag:s11], $0x2710  }
0x18: {  	[sflag:s11] =	ssyncset.done $0x0  }
0x19: {  	s23 =	simm.s32 $0x0;
	[sflag:s11] =	ssyncadd.s32 $0xFFFFD8F0  }
0x1a: {  	v10 =	vld [tilespmem:s23+$0x0]  }
0x1b: {  	v11 =	vld [tilespmem:s23+$0x2780];
	_ =	sdelay $0x4  }
0x1c: {  	vm0 =	vgt.s32 v10, v11  }
0x1d: {  	s24 =	simm.s32 $0x10;
	v9 =	vsel vm0, v11, v10  }
0x1e: {  	v12 =	vmul.u32 $0x2710, v9;
	v9 =	vld [tilespmem:s24+$0x0]  }
0x1f: {  	v11 =	vsel vm0, v10, v11;
	v10 =	vld [tilespmem:s24+$0x2780];
	_ =	sdelay $0x2  }
0x20: {  	s25 =	simm.s32 $0x80;
	v11 =	vadd.s32 v11, v12  }
.LBB2_2:
0x21: {  	[tilespmem:s23+$0x4F00] =	vst v11;
	v11 =	vmov v9;
	s23 =	smov.u32 s24;
	s24 =	sshra.s32 s25, $0x2;
	p0 =	sne.s32 s25, $0x2740  }
.Ltmp0:
0x22: {  	s25 =	sadd.s32 $0x40, s25;
	v9 =	vld [tilespmem:s24+$0x0];
	vm0 =	vgt.s32 v11, v10;
	v12 =	vmov v10;
	(pc) =	sbr.rel @p0 .LBB2_2-.Ltmp0, $4  }
0x23: {  	v10 =	vld [tilespmem:s24+$0x2780];
	v13 =	vsel vm0, v12, v11  }
0x24: {  	v13 =	vmul.u32 $0x2710, v13  }
0x25: {  	v11 =	vsel vm0, v11, v12  }
0x26: {  	v11 =	vadd.s32 v11, v13  }
0x27: {  	_ = 	snop  }
0x28: {  	vm0 =	vgt.s32 v9, v10  }
0x29: {  	v12 =	vsel vm0, v10, v9  }
0x2a: {  	s25 =	simm.s32 $0x0;
	v12 =	vmul.u32 $0x2710, v12  }
0x2b: {  	v9 =	vsel vm0, v9, v10;
	v10 =	vmov s25  }
0x2c: {  	[tilespmem:s23+$0x4F00] =	vst v11;
	v10 =	vshll.u32 v10, $0x4;
	v9 =	vadd.s32 v9, v12  }
0x2d: {  	[tilespmem:s24+$0x4F00] =	vst v9;
	v9 =	vor.u32 v8, v10;
	_ =	sdelay $0x2  }
0x2e: {  	s23 =	simm.s32 $0x10;
	s24 =	sadd.s32 $0x0, s7  }
.LBB2_4:
0x2f: {  	v10 =	vmov s23;
	p0 =	sne.s32 s23, $0x9D0;
	v11 =	vor.u32 s24, v0;
	s24 =	smov.u32 s23;
	s23 =	sadd.s32 $0x10, s23  }
.Ltmp1:
0x30: {  	v10 =	vshll.u32 v10, $0x4;
	[tilespmem:v9+s13+$0x0] =	vst.idx.msk $0xffff, v11;
	(pc) =	sbr.rel @p0 .LBB2_4-.Ltmp1, $2  }
0x31: {  	v9 =	vor.u32 v8, v10;
	_ =	sdelay $0x2  }
0x32: {  	s24 =	sadd.s32 s24, s7  }
0x33: {  	_ =	sdelay $0x2  }
0x34: {  	v10 =	vor.u32 s24, v0  }
0x35: {  	s23 =	simm.s32 $0x0;
	[tilespmem:v9+s13+$0x0] =	vst.idx.msk $0xffff, v10  }
0x36: {  	[hbm4b:s3+s14] =	stream.indirect.scatter [tilespmem:s13], [sflag:$0x1], $0x10, s15, s14, $0xb8;
	[tilespmem:$0x1B280] =	vst v63  }
0x37: {  	v10 =	vld [tilespmem:s23+$0x9E0]  }
0x38: {  	v11 =	vld [tilespmem:s23+$0x3160];
	_ =	sdelay $0x4  }
0x39: {  	vm0 =	vgt.s32 v10, v11  }
0x3a: {  	s24 =	simm.s32 $0x10;
	v9 =	vsel vm0, v11, v10  }
0x3b: {  	v12 =	vmul.u32 $0x2710, v9;
	v9 =	vld [tilespmem:s24+$0x9E0]  }
0x3c: {  	v11 =	vsel vm0, v10, v11;
	v10 =	vld [tilespmem:s24+$0x3160];
	_ =	sdelay $0x2  }
0x3d: {  	s25 =	simm.s32 $0x0;
	s26 =	simm.s32 $0x80;
	v11 =	vadd.s32 v11, v12  }
.LBB2_6:
0x3e: {  	[tilespmem:s23+$0x58E0] =	vst v11;
	v11 =	vmov v9;
	s23 =	smov.u32 s24;
	s24 =	sshra.s32 s26, $0x2;
	p0 =	sne.s32 s26, $0x2740  }
.Ltmp2:
0x3f: {  	s26 =	sadd.s32 $0x40, s26;
	v9 =	vld [tilespmem:s24+$0x9E0];
	vm0 =	vgt.s32 v11, v10;
	v12 =	vmov v10;
	(pc) =	sbr.rel @p0 .LBB2_6-.Ltmp2, $4  }
0x40: {  	v10 =	vld [tilespmem:s24+$0x3160];
	v13 =	vsel vm0, v12, v11  }
0x41: {  	v13 =	vmul.u32 $0x2710, v13  }
0x42: {  	v11 =	vsel vm0, v11, v12  }
0x43: {  	v11 =	vadd.s32 v11, v13  }
0x44: {  	_ = 	snop  }
0x45: {  	vm0 =	vgt.s32 v9, v10  }
0x46: {  	v12 =	vsel vm0, v10, v9  }
0x47: {  	v12 =	vmul.u32 $0x2710, v12  }
0x48: {  	v9 =	vsel vm0, v9, v10;
	v10 =	vmov s25  }
0x49: {  	[tilespmem:s23+$0x58E0] =	vst v11;
	v10 =	vshll.u32 v10, $0x4;
	v9 =	vadd.s32 v9, v12  }
0x4a: {  	[tilespmem:s24+$0x58E0] =	vst v9;
	v9 =	vor.u32 v8, v10;
	_ =	sdelay $0x2  }
0x4b: {  	s23 =	simm.s32 $0x10;
	s24 =	sadd.s32 $0x0, s8  }
.LBB2_8:
0x4c: {  	v10 =	vmov s23;
	p0 =	sne.s32 s23, $0x9D0;
	v11 =	vor.u32 s24, v0;
	s24 =	smov.u32 s23;
	s23 =	sadd.s32 $0x10, s23  }
.Ltmp3:
0x4d: {  	v10 =	vshll.u32 v10, $0x4;
	[tilespmem:v9+s16+$0x0] =	vst.idx.msk $0xffff, v11;
	(pc) =	sbr.rel @p0 .LBB2_8-.Ltmp3, $2  }
0x4e: {  	v9 =	vor.u32 v8, v10;
	_ =	sdelay $0x2  }
0x4f: {  	s24 =	sadd.s32 s24, s8  }
0x50: {  	_ =	sdelay $0x2  }
0x51: {  	v10 =	vor.u32 s24, v0  }
0x52: {  	s23 =	simm.s32 $0x0;
	[tilespmem:v9+s16+$0x0] =	vst.idx.msk $0xffff, v10  }
0x53: {  	[hbm4b:s3+s14] =	stream.indirect.scatter [tilespmem:s16], [sflag:$0x2], $0x10, s17, s14, $0xb8;
	[tilespmem:$0x1B280] =	vst v63  }
0x54: {  	v10 =	vld [tilespmem:s23+$0x13C0]  }
0x55: {  	v11 =	vld [tilespmem:s23+$0x3B40];
	_ =	sdelay $0x4  }
0x56: {  	vm0 =	vgt.s32 v10, v11  }
0x57: {  	s24 =	simm.s32 $0x10;
	v9 =	vsel vm0, v11, v10  }
0x58: {  	v12 =	vmul.u32 $0x2710, v9;
	v9 =	vld [tilespmem:s24+$0x13C0]  }
0x59: {  	v11 =	vsel vm0, v10, v11;
	v10 =	vld [tilespmem:s24+$0x3B40];
	_ =	sdelay $0x2  }
0x5a: {  	s25 =	simm.s32 $0x80;
	v11 =	vadd.s32 v11, v12  }
.LBB2_10:
0x5b: {  	[tilespmem:s23+$0x62C0] =	vst v11;
	v11 =	vmov v9;
	s23 =	smov.u32 s24;
	s24 =	sshra.s32 s25, $0x2;
	p0 =	sne.s32 s25, $0x2740  }
.Ltmp4:
0x5c: {  	s25 =	sadd.s32 $0x40, s25;
	v9 =	vld [tilespmem:s24+$0x13C0];
	vm0 =	vgt.s32 v11, v10;
	v12 =	vmov v10;
	(pc) =	sbr.rel @p0 .LBB2_10-.Ltmp4, $4  }
0x5d: {  	v10 =	vld [tilespmem:s24+$0x3B40];
	v13 =	vsel vm0, v12, v11  }
0x5e: {  	v13 =	vmul.u32 $0x2710, v13  }
0x5f: {  	v11 =	vsel vm0, v11, v12  }
0x60: {  	v11 =	vadd.s32 v11, v13  }
0x61: {  	_ = 	snop  }
0x62: {  	vm0 =	vgt.s32 v9, v10  }
0x63: {  	v12 =	vsel vm0, v10, v9  }
0x64: {  	v12 =	vmul.u32 $0x2710, v12  }
0x65: {  	v9 =	vsel vm0, v9, v10  }
0x66: {  	[tilespmem:s23+$0x62C0] =	vst v11;
	s31 =	simm.s32 $0x0;
	v9 =	vadd.s32 v9, v12  }
0x67: {  	[tilespmem:s24+$0x62C0] =	vst v9;
	v9 =	vmov s31  }
0x68: {  	v9 =	vshll.u32 v9, $0x4  }
0x69: {  	v9 =	vor.u32 v8, v9  }
0x6a: {  	_ =	swait.ge [sflag:s18], $0x9E00  }
0x6b: {  	[sflag:s18] =	ssyncset.done $0x0  }
0x6c: {  	s23 =	simm.s32 $0x10;
	s24 =	sadd.s32 $0x0, s9;
	[sflag:s18] =	ssyncadd.s32 $0xFFFF6200  }
.LBB2_12:
0x6d: {  	v10 =	vmov s23;
	p0 =	sne.s32 s23, $0x9D0;
	v11 =	vor.u32 s24, v0;
	s24 =	smov.u32 s23;
	s23 =	sadd.s32 $0x10, s23  }
.Ltmp5:
0x6e: {  	v10 =	vshll.u32 v10, $0x4;
	[tilespmem:v9+s13+$0x0] =	vst.idx.msk $0xffff, v11;
	(pc) =	sbr.rel @p0 .LBB2_12-.Ltmp5, $2  }
0x6f: {  	v9 =	vor.u32 v8, v10;
	_ =	sdelay $0x2  }
0x70: {  	s24 =	sadd.s32 s24, s9  }
0x71: {  	_ =	sdelay $0x2  }
0x72: {  	v10 =	vor.u32 s24, v0  }
0x73: {  	s23 =	simm.s32 $0x0;
	[tilespmem:v9+s13+$0x0] =	vst.idx.msk $0xffff, v10  }
0x74: {  	[hbm4b:s3+s14] =	stream.indirect.scatter [tilespmem:s13], [sflag:$0x1], $0x10, s19, s14, $0xb8;
	[tilespmem:$0x1B280] =	vst v63  }
0x75: {  	v10 =	vld [tilespmem:s23+$0x1DA0]  }
0x76: {  	v11 =	vld [tilespmem:s23+$0x4520];
	_ =	sdelay $0x4  }
0x77: {  	vm0 =	vgt.s32 v10, v11  }
0x78: {  	s24 =	simm.s32 $0x10;
	v9 =	vsel vm0, v11, v10  }
0x79: {  	v12 =	vmul.u32 $0x2710, v9;
	v9 =	vld [tilespmem:s24+$0x1DA0]  }
0x7a: {  	v11 =	vsel vm0, v10, v11;
	v10 =	vld [tilespmem:s24+$0x4520];
	_ =	sdelay $0x2  }
0x7b: {  	s25 =	simm.s32 $0x80;
	v11 =	vadd.s32 v11, v12  }
.LBB2_14:
0x7c: {  	[tilespmem:s23+$0x6CA0] =	vst v11;
	v11 =	vmov v9;
	s23 =	smov.u32 s24;
	s24 =	sshra.s32 s25, $0x2;
	p0 =	sne.s32 s25, $0x2580  }
.Ltmp6:
0x7d: {  	s25 =	sadd.s32 $0x40, s25;
	v9 =	vld [tilespmem:s24+$0x1DA0];
	vm0 =	vgt.s32 v11, v10;
	v12 =	vmov v10;
	(pc) =	sbr.rel @p0 .LBB2_14-.Ltmp6, $4  }
0x7e: {  	v10 =	vld [tilespmem:s24+$0x4520];
	v13 =	vsel vm0, v12, v11  }
0x7f: {  	v13 =	vmul.u32 $0x2710, v13  }
0x80: {  	v11 =	vsel vm0, v11, v12  }
0x81: {  	v11 =	vadd.s32 v11, v13  }
0x82: {  	_ = 	snop  }
0x83: {  	vm0 =	vgt.s32 v9, v10  }
0x84: {  	v12 =	vsel vm0, v10, v9  }
0x85: {  	v12 =	vmul.u32 $0x2710, v12  }
0x86: {  	v9 =	vsel vm0, v9, v10  }
0x87: {  	[tilespmem:s23+$0x6CA0] =	vst v11;
	v9 =	vadd.s32 v9, v12  }
0x88: {  	[tilespmem:s24+$0x6CA0] =	vst v9  }
0x89: {  	[tilespmem:$0x7610] =	vst v1  }
0x8a: {  	[tilespmem:$0x7620] =	vst v2  }
0x8b: {  	[tilespmem:$0x7630] =	vst v3  }
0x8c: {  	s31 =	simm.s32 $0x0;
	[tilespmem:$0x7640] =	vst v4  }
0x8d: {  	v9 =	vmov s31;
	[tilespmem:$0x7650] =	vst v5  }
0x8e: {  	[tilespmem:$0x7660] =	vst v6;
	v9 =	vshll.u32 v9, $0x4  }
0x8f: {  	[tilespmem:$0x7670] =	vst v7;
	v9 =	vor.u32 v8, v9  }
0x90: {  	_ =	swait.ge [sflag:s20], $0x9E00  }
0x91: {  	[sflag:s20] =	ssyncset.done $0x0  }
0x92: {  	s23 =	simm.s32 $0x10;
	s24 =	sadd.s32 $0x0, s10;
	[sflag:s20] =	ssyncadd.s32 $0xFFFF6200  }
.LBB2_16:
0x93: {  	v10 =	vmov s23;
	p0 =	sne.s32 s23, $0x9D0;
	v11 =	vor.u32 s24, v0;
	s24 =	smov.u32 s23;
	s23 =	sadd.s32 $0x10, s23  }
.Ltmp7:
0x94: {  	v10 =	vshll.u32 v10, $0x4;
	[tilespmem:v9+s16+$0x0] =	vst.idx.msk $0xffff, v11;
	(pc) =	sbr.rel @p0 .LBB2_16-.Ltmp7, $2  }
0x95: {  	v9 =	vor.u32 v8, v10;
	_ =	sdelay $0x2  }
0x96: {  	s24 =	sadd.s32 s24, s10  }
0x97: {  	_ =	sdelay $0x2  }
0x98: {  	v10 =	vor.u32 s24, v0  }
0x99: {  	s22 =	sadd.s32 $0x1, s22;
	[tilespmem:v9+s16+$0x0] =	vst.idx.msk $0xffff, v10  }
0x9a: {  	[hbm4b:s3+s14] =	stream.indirect.scatter [tilespmem:s16], [sflag:$0x2], $0x10, s21, s14, $0xb8;
	[tilespmem:$0x1B280] =	vst v63  }
0x9b: {  	p0 =	sne.s32 s22, s6;
	_ =	swait.ge [sflag:s18], $0x9E00  }
.Ltmp8:
0x9c: {  	[sflag:s18] =	ssyncset.done $0x0;
	(pc) =	sbr.rel @p0 .LBB2_1-.Ltmp8, $4  }
0x9d: {  	[sflag:s18] =	ssyncadd.s32 $0xFFFF6200  }
0x9e: {  	_ =	swait.ge [sflag:s20], $0x9E00  }
0x9f: {  	[sflag:s20] =	ssyncset.done $0x0  }
0xa0: {  	[sflag:s20] =	ssyncadd.s32 $0xFFFF6200  }
0xa1: {  	_ =	sfence.sel $0x180000  }
0xa2: {  	[bflag:$0x0] =	sbarrier.arrive $0xFFFF  }
0xa3: {  	p0 =	sne.s32 s0, $0x0;
	_ =	strace $0x90000047  }
0xa4: {  	s0 =	sadd.s32 @!p0 $0x100000, s1;
	[bflag:$0x2] =	sbarrier.arrive $0xFFFF  }
0xa5: {  	[sflag:s0] =	ssyncadd.tile.s32 @!p0 $0x1;
	_ =	shalt  }
.Lfunc_end2:
_tile_overlayer_lowered:
.L_overlay_start_2:
0xa6: {  	(tag) =	ssettag $0x2  }
0xa7: {  	s0 =	rddreg [dreg:$0x0];
	s2 =	stileid.u32  }
0xa8: {  	s1 =	rddreg [dreg:$0x1];
	p0 =	sne.s32 s2, $0x0  }
0xa9: {  	s3 =	rddreg [dreg:$0x2];
	[bflag:$0x3] =	sbarrier.arrive $0xFFFF;
	s2 =	simm.s32 @!p0 $0x1C03  }
0xaa: {  	[timem:s3], [sflag:s2] =	dma.local @!p0 [hbm:s0], s1  }
0xab: {  	s0 =	simm.s32 @!p0 $0x3  }
0xac: {  	_ =	swait.ge @!p0 [sflag:s0], s1  }
0xad: {  	s1 =	ssub.s32 @!p0 $0x0, s1;
	[sflag:s0] =	ssyncset.done @!p0 $0x0  }
0xae: {  	[sflag:s0] =	ssyncadd.s32 @!p0 s1  }
0xaf: {  	[bflag:$0x3] =	sbarrier.arrive $0xFFFF  }
0xb0: {  	_ =	shalt  }

// kernel: kernel.8.cloned.1.call-start
scs
__scs_entry_jumppad:
0x0: {  	(pc) =	sbr.rel $0x88, $3  }
0x1: {  	(tag) =	ssettag $0x0;
	lr =	simm.s32 $0x1  }
0x2: {  	[smem:$0x3F99] =	sst lr;
	_ =	strace $0xD0000000  }
0x3: {  	_ = 	snop  }
0x4: {  	_ = 	snop  }
0x5: {  	_ = 	snop  }
0x6: {  	_ = 	snop  }
0x7: {  	_ = 	snop  }
__scs_overlays_trampoline_lowered:
0x8: {  	[smem:$0x3FA8] =	sst s0  }
0x9: {  	[smem:$0x3FA9] =	sst s1  }
0xa: {  	[smem:$0x3FAA] =	sst s2  }
0xb: {  	[smem:$0x3FAB] =	sst s3  }
0xc: {  	[smem:$0x3FAC] =	sst s4  }
0xd: {  	[smem:$0x3FAD] =	sst s5  }
0xe: {  	[smem:$0x3FAE] =	sst s6  }
0xf: {  	[smem:$0x3FAF] =	sst s7  }
0x10: {  	[smem:$0x3FB0] =	sst s8  }
0x11: {  	[smem:$0x3FB1] =	sst s9;
	s0 =	simm.s32 @!p0 $0x0  }
0x12: {  	s1 =	sld [smem:$0x3F97];
	s0 =	simm.s32 @p0 $0x1  }
0x13: {  	[smem:$0x3FB2] =	sst s0;
	s0 =	simm.s32 @!p1 $0x0  }
0x14: {  	s2 =	sld [smem:$0x3F96];
	s0 =	simm.s32 @p1 $0x1  }
0x15: {  	[smem:$0x3FB3] =	sst s0;
	s0 =	simm.s32 @!p2 $0x0  }
0x16: {  	s3 =	sld [smem:$0x3FDB];
	s0 =	simm.s32 @p2 $0x1  }
0x17: {  	s4 =	simm.s32 $0x1BF5;
	[smem:$0x3FB5] =	sst s0  }
0x18: {  	s0 =	sld [smem:$0x3F98];
	_ =	swait.ge [sflag:s4], $0x0  }
0x19: {  	s7 =	sld [smem:$0x3F99]  }
0x1a: {  	s8 =	sadd.s32 $0xFFFFE003, lr  }
0x1b: {  	s9 =	sadd.s32 $0xFFFFFEF7, lr;
	s5 =	simm.s32 $0xFFFFFFFF;
	p2 =	slt.u32 s8, $0xFFFFF086  }
0x1c: {  	p1 =	slt.u32 s9, $0xF7A;
	s5 =	simm.s32 @!p2 $0x0  }
0x1d: {  	s5 =	simm.s32 @p1 $0x1;
	p0 =	seq.s32 s7, s2  }
0x1e: {  	s7 =	smul.u32 @!p0 $0xF7A, s2;
	p2 =	seq.s32 @!p0 s5, $0x0  }
0x1f: {  	s9 =	smul.u32 $0xF7A, s1;
	s8 =	simm.s32 @!p0 $0x1BF5;
	p2 =	por !p2, p0  }
0x20: {  	[sflag:s8] =	ssyncset.s32 @!p0 $0xFFFFF086;
	s6 =	sadd.s32 @!p0 s3, s7;
	s7 =	simm.s32 @!p0 $0x108  }
0x21: {  	s3 =	sadd.s32 s3, s9;
	s6 =	sadd.s32 @!p0 $0x88, s6;
	s7 =	simm.s32 @p2 $0x1082  }
0x22: {  	[simem:s7], [sflag:s8] =	dma.local @!p0 [hbm:s6], $0xF7A  }
0x23: {  	s9 =	sor.u32 $0xD0000000, s2;
	s6 =	simm.s32 $0x108;
	_ =	swait.ge @!p0 [sflag:s8], $0x0  }
0x24: {  	s3 =	sadd.s32 $0x88, s3;
	s6 =	simm.s32 @!p1 $0x1082;
	[sflag:s4] =	ssyncset.s32 $0xFFFFF086  }
0x25: {  	[simem:s6], [sflag:s4] =	dma.local [hbm:s3], $0xF7A  }
0x26: {  	[smem:$0x3F99] =	sst s1;
	(tag) =	ssettag s2;
	_ =	strace s9  }
0x27: {  	s1 =	sld [smem:$0x3FA9]  }
0x28: {  	s2 =	sld [smem:$0x3FAA]  }
0x29: {  	s4 =	sld [smem:$0x3FAC]  }
0x2a: {  	p0 =	seq.s32 s5, $0x0;
	s5 =	sld [smem:$0x3FAD]  }
0x2b: {  	s6 =	sld [smem:$0x3FAE]  }
0x2c: {  	s7 =	sld [smem:$0x3FAF]  }
0x2d: {  	s3 =	simm.s32 $0x108;
	s8 =	sld [smem:$0x3FB0]  }
0x2e: {  	s3 =	simm.s32 @!p0 $0x1082;
	s9 =	sld [smem:$0x3FB1]  }
0x2f: {  	lr =	sadd.s32 s0, s3;
	s0 =	sld [smem:$0x3FA8]  }
0x30: {  	s3 =	sld [smem:$0x3FAB]  }
0x31: {  	[smem:$0x3FB4] =	sst s10  }
0x32: {  	s10 =	sld [smem:$0x3FB2];
	_ =	sdelay $0x3  }
0x33: {  	p0 =	seq.s32 s10, $0x1;
	s10 =	sld [smem:$0x3FB4];
	_ =	sdelay $0x3  }
0x34: {  	[smem:$0x3FB4] =	sst s10  }
0x35: {  	s10 =	sld [smem:$0x3FB3];
	_ =	sdelay $0x3  }
0x36: {  	p1 =	seq.s32 s10, $0x1;
	s10 =	sld [smem:$0x3FB4];
	_ =	sdelay $0x3  }
0x37: {  	[smem:$0x3FB4] =	sst s10  }
0x38: {  	s10 =	sld [smem:$0x3FB5]  }
0x39: {  	_ = 	snop;
	(pc) =	sbr.ind lr, $3  }
0x3a: {  	_ = 	snop  }
0x3b: {  	_ = 	snop  }
0x3c: {  	p2 =	seq.s32 s10, $0x1;
	s10 =	sld [smem:$0x3FB4]  }
0x3d: {  	_ =	shalt  }
0x3e: {  	_ =	shalt  }
0x3f: {  	_ =	shalt  }
0x40: {  	_ =	shalt  }
0x41: {  	_ =	shalt  }
0x42: {  	_ =	shalt  }
0x43: {  	_ =	shalt  }
0x44: {  	_ =	shalt  }
0x45: {  	_ =	shalt  }
0x46: {  	_ =	shalt  }
0x47: {  	_ =	shalt  }
0x48: {  	_ =	shalt  }
0x49: {  	_ =	shalt  }
0x4a: {  	_ =	shalt  }
0x4b: {  	_ =	shalt  }
0x4c: {  	_ =	shalt  }
0x4d: {  	_ =	shalt  }
0x4e: {  	_ =	shalt  }
0x4f: {  	_ =	shalt  }
0x50: {  	_ =	shalt  }
0x51: {  	_ =	shalt  }
0x52: {  	_ =	shalt  }
0x53: {  	_ =	shalt  }
0x54: {  	_ =	shalt  }
0x55: {  	_ =	shalt  }
0x56: {  	_ =	shalt  }
0x57: {  	_ =	shalt  }
0x58: {  	_ =	shalt  }
0x59: {  	_ =	shalt  }
0x5a: {  	_ =	shalt  }
0x5b: {  	_ =	shalt  }
0x5c: {  	_ =	shalt  }
0x5d: {  	_ =	shalt  }
0x5e: {  	_ =	shalt  }
0x5f: {  	_ =	shalt  }
0x60: {  	_ =	shalt  }
0x61: {  	_ =	shalt  }
0x62: {  	_ =	shalt  }
0x63: {  	_ =	shalt  }
0x64: {  	_ =	shalt  }
0x65: {  	_ =	shalt  }
0x66: {  	_ =	shalt  }
0x67: {  	_ =	shalt  }
0x68: {  	_ =	shalt  }
0x69: {  	_ =	shalt  }
0x6a: {  	_ =	shalt  }
0x6b: {  	_ =	shalt  }
0x6c: {  	_ =	shalt  }
0x6d: {  	_ =	shalt  }
0x6e: {  	_ =	shalt  }
0x6f: {  	_ =	shalt  }
0x70: {  	_ =	shalt  }
0x71: {  	_ =	shalt  }
0x72: {  	_ =	shalt  }
0x73: {  	_ =	shalt  }
0x74: {  	_ =	shalt  }
0x75: {  	_ =	shalt  }
0x76: {  	_ =	shalt  }
0x77: {  	_ =	shalt  }
0x78: {  	_ =	shalt  }
0x79: {  	_ =	shalt  }
0x7a: {  	_ =	shalt  }
0x7b: {  	_ =	shalt  }
0x7c: {  	_ =	shalt  }
0x7d: {  	_ =	shalt  }
0x7e: {  	_ =	shalt  }
0x7f: {  	_ =	shalt  }
0x80: {  	_ =	shalt  }
0x81: {  	_ =	shalt  }
0x82: {  	_ =	shalt  }
0x83: {  	_ =	shalt  }
0x84: {  	_ =	shalt  }
0x85: {  	_ =	shalt  }
0x86: {  	_ =	shalt  }
0x87: {  	_ =	shalt  }
.Lfunc_end0:
.L_simem_size_0:
called_computation.1_lowered:
.L_overlay_start_0:
0x88: {  	s2 =	sld [smem:$0x3FD9]  }
0x89: {  	s3 =	sld [smem:$0x3FFE];
	_ =	sdelay $0x1  }
0x8a: {  	s1 =	srdreg.scid  }
0x8b: {  	s0 =	sand.u32 $0x1, s1  }
0x8c: {  	s17 =	sshll.u32 s0, $0xA;
	s2 =	sadd.s32 s3, s2  }
0x8d: {  	s2 =	sadd.s32 s2, s17  }
0x8e: {  	[smem:$0x3FC0] =	sst s2  }
0x8f: {  	_ = 	snop  }
0x90: {  	s2 =	sld [smem:$0x3FD0];
	(tm) =	ssettm $0x1  }
0x91: {  	s18 =	sld [smem:$0x3FFB];
	_ =	sdelay $0x3  }
0x92: {  	_ =	strace s18  }
0x93: {  	s3 =	sld [smem:$0x3FFC];
	_ =	sdelay $0x3  }
0x94: {  	_ =	strace s3  }
0x95: {  	s3 =	sld [smem:$0x3FFD];
	_ =	sdelay $0x3  }
0x96: {  	_ =	strace s3  }
0x97: {  	_ =	strace $0x8FFFFFFF  }
0x98: {  	s19 =	sld [smem:$0x3FDB];
	_ =	sdelay $0x1  }
0x99: {  	s4 =	simm.s32 $_scs_section_size  }
0x9a: {  	s5 =	simm.s32 $_size__tile_overlayer_lowered;
	s6 =	simm.s32 $_tile_overlayer_lowered  }
0x9b: {  	s22 =	simm.s32 $0x1BFF;
	s21 =	sshll.u32 s6, $0x1;
	s3 =	sadd.s32 s4, s19  }
0x9c: {  	s7 =	simm.s32 $0x0;
	s20 =	sshll.u32 s5, $0x1;
	s5 =	sadd.s32 s21, s3  }
0x9d: {  	[timem:s7], [sflag:s22] =	dma.local [hbm:s5], s20  }
0x9e: {  	_ =	swait.ge [sflag:s22], s20  }
0x9f: {  	s4 =	ssub.s32 $0x0, s20;
	[sflag:s22] =	ssyncset.done $0x0  }
0xa0: {  	[sflag:s22] =	ssyncadd.s32 s4;
	_ =	sdelay $0x1  }
0xa1: {  	s23 =	simm.s32 $0x1B8B  }
0xa2: {  	_ =	swait.ge [sflag:s23], $0x1  }
0xa3: {  	[sflag:s23] =	ssyncset.done $0x0  }
0xa4: {  	s25 =	simm.s32 $0x1B8E;
	s24 =	sld [smem:$0x3FFE];
	[sflag:s23] =	ssyncadd.s32 $0xFFFFFFFF  }
0xa5: {  	s26 =	simm.s32 $execute0_lowered;
	[smem:$0x3FD2] =	sst s25  }
0xa6: {  	s5 =	sshll.u32 s26, $0x1;
	_ =	strace $0x80000049;
	[dreg:$0x1] =	wrdreg $0xFFFFFFFF  }
0xa7: {  	s28 =	simm.s32 $_size_execute0_lowered;
	s3 =	sadd.s32 s3, s5;
	[dreg:$0x0] =	wrdreg $0x0  }
0xa8: {  	s5 =	sshll.u32 s28, $0x1;
	[dreg:$0x2] =	wrdreg s3  }
0xa9: {  	[dreg:$0x3] =	wrdreg s5  }
0xaa: {  	[dreg:$0x4] =	wrdreg $0xC0  }
0xab: {  	_ =	task [dreg:s7], $0x5FFFF  }
0xac: {  	[dreg:$0x1] =	wrdreg $0xFFFFFFFF  }
0xad: {  	[dreg:$0x0] =	wrdreg $0x60  }
0xae: {  	[dreg:$0x2] =	wrdreg s24  }
0xaf: {  	[dreg:$0x3] =	wrdreg s2  }
0xb0: {  	[dreg:$0x4] =	wrdreg $0x9  }
0xb1: {  	_ =	task.clear_ibuf [dreg:s7], $0x5FFFF;
	_ =	strace $0x90000049  }
0xb2: {  	s29 =	simm.s32 $0x9;
	_ =	strace $0x8000004B  }
0xb3: {  	_ =	swait.ge [sflag:s29], $0x1  }
0xb4: {  	[sflag:s29] =	ssyncadd.s32 $0xFFFFFFFF  }
0xb5: {  	_ =	strace $0x9000004B  }
0xb6: {  	_ =	sfence  }
0xb7: {  	s30 =	sld [smem:$0x0];
	_ =	sdelay $0x2  }
0xb8: {  	s31 =	sshll.u32 s1, $0xD;
	s1 =	sshrl.u32 s1, $0x2  }
0xb9: {  	s3 =	sand.u32 $0x4000, s31;
	s1 =	sadd.s32 s1, s30  }
0xba: {  	s0 =	sor.u32 s3, s0;
	s1 =	sshll.u32 s1, $0x11  }
0xbb: {  	s0 =	sor.u32 s1, s0  }
0xbc: {  	s0 =	sadd.s32 $0x8F2B, s0  }
0xbd: {  	[sflag:s0] =	ssyncadd.remote.s32 $0x1  }
0xbe: {  	_ =	sfence.sel $0xFFFF  }
0xbf: {  	[dreg:$0x0] =	wrdreg $0xFFFFFFFF;
	(pc) =	sbr.abs _section_cstart, $3  }
0xc0: {  	[dreg:$0x1] =	wrdreg $0xFFFFFFFF  }
0xc1: {  	_ =	task.clear_ibuf [dreg:s7], $0x2FFFF;
	_ =	strace $0x9FFFFFFF  }
0xc2: {  	(tm) =	ssettm $0x7FFFFFFF  }
0xc3: {  	_ =	shalt  }
tec
execute0_lowered:
.L_overlay_start_1:
0x0: {  	(tag) =	ssettag $0x1  }
0x1: {  	s1 =	srdreg.scid;
	s5 =	rddreg [dreg:$0x0]  }
0x2: {  	s0 =	stileid.u32;
	s7 =	rddreg [dreg:$0x1]  }
0x3: {  	s2 =	simm.s32 $0x0;
	s14 =	simm.s32 $0x80E0;
	s15 =	simm.s32 $0x6300  }
0x4: {  	s16 =	simm.s32 $0x8AC0;
	s17 =	simm.s32 $0x6D00;
	s18 =	simm.s32 $0x94A0  }
0x5: {  	s19 =	simm.s32 $0x1;
	s20 =	simm.s32 $0x2;
	s21 =	simm.s32 $0x3  }
0x6: {  	s4 =	sand.u32 $0x1, s1;
	s22 =	sshll.u32 s0, $0x1;
	s23 =	sshrl.u32 s0, $0x2  }
0x7: {  	[smem:$0x7FF] =	sst s2;
	s6 =	sor.u32 s4, s22;
	s3 =	smul.u32 $0x14000, s23  }
0x8: {  	s1 =	rddreg [dreg:$0x2];
	_ =	strace $0x8000004A;
	s9 =	smul.u32 $0x2710, s6  }
0x9: {  	s10 =	ssub.s32 $0x2, s4;
	s8 =	sshll.u32 s6, $0x7;
	s6 =	smul.u32 $0x70, s6  }
0xa: {  	v0 =	vimm.s32 $0x0;
	vm0 =	vcmask $0x300;
	s22 =	simm.s32 $0x4;
	s23 =	simm.s32 $0x80;
	s25 =	sshrl.u32 s10, $0x1  }
0xb: {  	v2 =	vlaneseq.u32;
	v0 =	vsel vm0, $0x27100, v0;
	s8 =	sand.u32 $0x380, s8;
	s28 =	sor.u32 $0x1, s6;
	s29 =	sadd.s32 $0x11, s6  }
0xc: {  	v6 =	vmul.u32 $0x27100, v2;
	s30 =	sadd.s32 $0x21, s6;
	s11 =	sadd.s32 $0x31, s6;
	s31 =	sadd.s32 $0x41, s6;
	v1 =	vmul.u32 s28, v0;
	v3 =	vmul.u32 s29, v0  }
0xd: {  	s26 =	ssub.s32 s10, s25;
	s10 =	simm.s32 $0x9E0;
	s12 =	sadd.s32 $0x51, s6;
	v2 =	vmul.u32 s30, v0;
	v4 =	vmul.u32 s11, v0;
	v5 =	vmul.u32 s31, v0  }
0xe: {  	s25 =	simm.s32 $0x9E80;
	s8 =	sor.u32 s3, s8;
	s13 =	sadd.s32 $0x61, s6;
	v7 =	vmul.u32 s12, v0;
	v1 =	vbroadcast v1, $0x0;
	v3 =	vbroadcast v3, $0x0  }
0xf: {  	s3 =	sadd.s32 $0x1400, s5;
	s24 =	sshrl.u32 s9, $0x3;
	s9 =	simm.s32 $0x2780;
	v8 =	vmul.u32 s13, v0;
	v2 =	vbroadcast v2, $0x0;
	v4 =	vbroadcast v4, $0x0  }
0x10: {  	s8 =	sshrl.u32 s8, $0x3;
	s4 =	sadd.s32 s7, s24;
	s7 =	smax.u32 s26, $0x1;
	v5 =	vbroadcast v5, $0x0;
	v7 =	vbroadcast v7, $0x0  }
0x11: {  	s11 =	simm.s32 $0x4F00;
	s12 =	simm.s32 $0x7700;
	s13 =	simm.s32 $0x5900;
	v8 =	vbroadcast v8, $0x0;
	v0 =	vadd.s32 v6, v1;
	v1 =	vadd.s32 v6, v3  }
0x12: {  	s24 =	simm.s32 $0x400;
	s26 =	simm.s32 $0x0;
	s8 =	sadd.s32 s8, s5;
	v2 =	vadd.s32 v6, v2;
	v3 =	vadd.s32 v6, v4;
	v4 =	vadd.s32 v6, v5  }
0x13: {  	s5 =	sadd.s32 $0x9C40, s4;
	s6 =	sadd.s32 $0xBEBD600, s8;
	s8 =	simm.s32 $0x5;
	v5 =	vadd.s32 v6, v7;
	v6 =	vadd.s32 v6, v8;
	v7 =	vimm.f32 $0.0e+00  }
.LBB2_1:
0x14: {  	[tilespmem:s2], [sflag:$0x5] =	stream.linear.gather [hbm4b:s4+s2], $0x2710, $0x38;
	[tilespmem:$0xC680] =	vst v63  }
0x15: {  	_ =	swait.ge [sflag:s8], $0x2710  }
0x16: {  	[sflag:s8] =	ssyncset.done $0x0  }
0x17: {  	[sflag:s8] =	ssyncadd.s32 $0xFFFFD8F0  }
0x18: {  	[tilespmem:s9], [sflag:$0x5] =	stream.linear.gather [hbm4b:s5+s2], $0x2710, $0x38;
	[tilespmem:$0xC680] =	vst v63  }
0x19: {  	_ =	swait.ge [sflag:s8], $0x2710  }
0x1a: {  	[sflag:s8] =	ssyncset.done $0x0  }
0x1b: {  	s29 =	simm.s32 $0x0;
	[sflag:s8] =	ssyncadd.s32 $0xFFFFD8F0  }
0x1c: {  	v9 =	vld [tilespmem:s29+$0x0]  }
0x1d: {  	v10 =	vld [tilespmem:s29+$0x2780];
	_ =	sdelay $0x4  }
0x1e: {  	vm0 =	vgt.s32 v9, v10  }
0x1f: {  	s28 =	simm.s32 $0x10;
	v8 =	vsel vm0, v10, v9  }
0x20: {  	v11 =	vmul.u32 $0x2710, v8;
	v8 =	vld [tilespmem:s28+$0x0]  }
0x21: {  	v10 =	vsel vm0, v9, v10;
	v9 =	vld [tilespmem:s28+$0x2780];
	_ =	sdelay $0x2  }
0x22: {  	s30 =	simm.s32 $0x80;
	v10 =	vadd.s32 v10, v11  }
.LBB2_2:
0x23: {  	s31 =	sshra.s32 s30, $0x2;
	v12 =	vshll.u32 v10, $0x4;
	v11 =	vmov v8;
	p0 =	sne.s32 s30, $0x2740  }
.Ltmp0:
0x24: {  	s30 =	sadd.s32 $0x40, s30;
	v8 =	vld [tilespmem:s31+$0x0];
	vm0 =	vgt.s32 v11, v9;
	[tilespmem:s29+$0x4F00] =	vst v12;
	v10 =	vmov v9;
	(pc) =	sbr.rel @p0 .LBB2_2-.Ltmp0, $4  }
0x25: {  	s29 =	smov.u32 s28;
	s28 =	smov.u32 s31;
	v9 =	vld [tilespmem:s31+$0x2780];
	v12 =	vsel vm0, v10, v11  }
0x26: {  	v12 =	vmul.u32 $0x2710, v12  }
0x27: {  	v10 =	vsel vm0, v11, v10  }
0x28: {  	v10 =	vadd.s32 v10, v12  }
0x29: {  	_ = 	snop  }
0x2a: {  	vm0 =	vgt.s32 v8, v9  }
0x2b: {  	v11 =	vsel vm0, v9, v8  }
0x2c: {  	v11 =	vmul.u32 $0x2710, v11  }
0x2d: {  	v8 =	vsel vm0, v8, v9  }
0x2e: {  	v9 =	vshll.u32 v10, $0x4;
	v8 =	vadd.s32 v8, v11  }
0x2f: {  	[tilespmem:s29+$0x4F00] =	vst v9;
	v8 =	vshll.u32 v8, $0x4  }
0x30: {  	s29 =	simm.s32 $0x0;
	[tilespmem:s28+$0x4F00] =	vst v8  }
0x31: {  	[tilespmem:s12], [sflag:$0x1] =	stream.indirect.gather [hbm4b:s3+s10], $0x1, s11, s10, $0xb8;
	[tilespmem:$0xC680] =	vst v63  }
0x32: {  	v9 =	vld [tilespmem:s29+$0x9E0]  }
0x33: {  	v10 =	vld [tilespmem:s29+$0x3160];
	_ =	sdelay $0x4  }
0x34: {  	vm15 =	vgt.s32 v9, v10  }
0x35: {  	s28 =	simm.s32 $0x10;
	v8 =	vsel vm15, v10, v9  }
0x36: {  	v11 =	vmul.u32 $0x2710, v8;
	v8 =	vld [tilespmem:s28+$0x9E0]  }
0x37: {  	v10 =	vsel vm15, v9, v10;
	v9 =	vld [tilespmem:s28+$0x3160];
	_ =	sdelay $0x2  }
0x38: {  	s30 =	simm.s32 $0x80;
	v10 =	vadd.s32 v10, v11  }
.LBB2_4:
0x39: {  	s31 =	sshra.s32 s30, $0x2;
	v12 =	vshll.u32 v10, $0x4;
	v11 =	vmov v8;
	p0 =	sne.s32 s30, $0x2740  }
.Ltmp1:
0x3a: {  	s30 =	sadd.s32 $0x40, s30;
	v8 =	vld [tilespmem:s31+$0x9E0];
	vm0 =	vgt.s32 v11, v9;
	[tilespmem:s29+$0x5900] =	vst v12;
	v10 =	vmov v9;
	(pc) =	sbr.rel @p0 .LBB2_4-.Ltmp1, $4  }
0x3b: {  	s29 =	smov.u32 s28;
	s28 =	smov.u32 s31;
	v9 =	vld [tilespmem:s31+$0x3160];
	v12 =	vsel vm0, v10, v11  }
0x3c: {  	v12 =	vmul.u32 $0x2710, v12  }
0x3d: {  	v10 =	vsel vm0, v11, v10  }
0x3e: {  	v10 =	vadd.s32 v10, v12  }
0x3f: {  	_ = 	snop  }
0x40: {  	vm0 =	vgt.s32 v8, v9  }
0x41: {  	v11 =	vsel vm0, v9, v8  }
0x42: {  	v11 =	vmul.u32 $0x2710, v11  }
0x43: {  	v8 =	vsel vm0, v8, v9  }
0x44: {  	v9 =	vshll.u32 v10, $0x4;
	v8 =	vadd.s32 v8, v11  }
0x45: {  	[tilespmem:s29+$0x5900] =	vst v9;
	v8 =	vshll.u32 v8, $0x4  }
0x46: {  	s29 =	simm.s32 $0x0;
	[tilespmem:s28+$0x5900] =	vst v8  }
0x47: {  	[tilespmem:s14], [sflag:$0x2] =	stream.indirect.gather [hbm4b:s3+s10], $0x1, s13, s10, $0xb8;
	[tilespmem:$0xC680] =	vst v63  }
0x48: {  	v9 =	vld [tilespmem:s29+$0x13C0]  }
0x49: {  	v10 =	vld [tilespmem:s29+$0x3B40];
	_ =	sdelay $0x4  }
0x4a: {  	vm15 =	vgt.s32 v9, v10  }
0x4b: {  	s28 =	simm.s32 $0x10;
	v8 =	vsel vm15, v10, v9  }
0x4c: {  	v11 =	vmul.u32 $0x2710, v8;
	v8 =	vld [tilespmem:s28+$0x13C0]  }
0x4d: {  	v10 =	vsel vm15, v9, v10;
	v9 =	vld [tilespmem:s28+$0x3B40];
	_ =	sdelay $0x2  }
0x4e: {  	s30 =	simm.s32 $0x80;
	v10 =	vadd.s32 v10, v11  }
.LBB2_6:
0x4f: {  	s31 =	sshra.s32 s30, $0x2;
	v12 =	vshll.u32 v10, $0x4;
	v11 =	vmov v8;
	p0 =	sne.s32 s30, $0x2740  }
.Ltmp2:
0x50: {  	s30 =	sadd.s32 $0x40, s30;
	v8 =	vld [tilespmem:s31+$0x13C0];
	vm0 =	vgt.s32 v11, v9;
	[tilespmem:s29+$0x6300] =	vst v12;
	v10 =	vmov v9;
	(pc) =	sbr.rel @p0 .LBB2_6-.Ltmp2, $4  }
0x51: {  	s29 =	smov.u32 s28;
	s28 =	smov.u32 s31;
	v9 =	vld [tilespmem:s31+$0x3B40];
	v12 =	vsel vm0, v10, v11  }
0x52: {  	v12 =	vmul.u32 $0x2710, v12  }
0x53: {  	v10 =	vsel vm0, v11, v10  }
0x54: {  	v10 =	vadd.s32 v10, v12  }
0x55: {  	_ = 	snop  }
0x56: {  	vm0 =	vgt.s32 v8, v9  }
0x57: {  	v11 =	vsel vm0, v9, v8  }
0x58: {  	v11 =	vmul.u32 $0x2710, v11  }
0x59: {  	v8 =	vsel vm0, v8, v9  }
0x5a: {  	v9 =	vshll.u32 v10, $0x4;
	v8 =	vadd.s32 v8, v11  }
0x5b: {  	[tilespmem:s29+$0x6300] =	vst v9;
	v8 =	vshll.u32 v8, $0x4  }
0x5c: {  	s29 =	simm.s32 $0x0;
	[tilespmem:s28+$0x6300] =	vst v8  }
0x5d: {  	[tilespmem:s16], [sflag:$0x3] =	stream.indirect.gather [hbm4b:s3+s10], $0x1, s15, s10, $0xb8;
	[tilespmem:$0xC680] =	vst v63  }
0x5e: {  	v9 =	vld [tilespmem:s29+$0x1DA0]  }
0x5f: {  	v10 =	vld [tilespmem:s29+$0x4520];
	_ =	sdelay $0x4  }
0x60: {  	vm15 =	vgt.s32 v9, v10  }
0x61: {  	s28 =	simm.s32 $0x10;
	v8 =	vsel vm15, v10, v9  }
0x62: {  	v11 =	vmul.u32 $0x2710, v8;
	v8 =	vld [tilespmem:s28+$0x1DA0]  }
0x63: {  	v10 =	vsel vm15, v9, v10;
	v9 =	vld [tilespmem:s28+$0x4520];
	_ =	sdelay $0x2  }
0x64: {  	s30 =	simm.s32 $0x80;
	v10 =	vadd.s32 v10, v11  }
.LBB2_8:
0x65: {  	s31 =	sshra.s32 s30, $0x2;
	v12 =	vshll.u32 v10, $0x4;
	v11 =	vmov v8;
	p0 =	sne.s32 s30, $0x2580  }
.Ltmp3:
0x66: {  	s30 =	sadd.s32 $0x40, s30;
	v8 =	vld [tilespmem:s31+$0x1DA0];
	vm0 =	vgt.s32 v11, v9;
	[tilespmem:s29+$0x6D00] =	vst v12;
	v10 =	vmov v9;
	(pc) =	sbr.rel @p0 .LBB2_8-.Ltmp3, $4  }
0x67: {  	s29 =	smov.u32 s28;
	s28 =	smov.u32 s31;
	v9 =	vld [tilespmem:s31+$0x4520];
	v12 =	vsel vm0, v10, v11  }
0x68: {  	v12 =	vmul.u32 $0x2710, v12  }
0x69: {  	v10 =	vsel vm0, v11, v10  }
0x6a: {  	v10 =	vadd.s32 v10, v12  }
0x6b: {  	_ = 	snop  }
0x6c: {  	vm0 =	vgt.s32 v8, v9  }
0x6d: {  	v11 =	vsel vm0, v9, v8  }
0x6e: {  	v11 =	vmul.u32 $0x2710, v11  }
0x6f: {  	v8 =	vsel vm0, v8, v9  }
0x70: {  	v63 =	vshll.u32 v10, $0x4;
	v8 =	vadd.s32 v8, v11  }
0x71: {  	[tilespmem:s29+$0x6D00] =	vst v63;
	v8 =	vshll.u32 v8, $0x4  }
0x72: {  	[tilespmem:s28+$0x6D00] =	vst v8  }
0x73: {  	[tilespmem:$0x7670] =	vst v0  }
0x74: {  	[tilespmem:$0x7680] =	vst v1  }
0x75: {  	[tilespmem:$0x7690] =	vst v2  }
0x76: {  	[tilespmem:$0x76A0] =	vst v3  }
0x77: {  	[tilespmem:$0x76B0] =	vst v4  }
0x78: {  	[tilespmem:$0x76C0] =	vst v5  }
0x79: {  	s29 =	simm.s32 $0x0;
	s28 =	simm.s32 $0x40;
	[tilespmem:$0x76D0] =	vst v6  }
0x7a: {  	[tilespmem:s18], [sflag:$0x4] =	stream.indirect.gather [hbm4b:s3+s10], $0x1, s17, s10, $0xb8;
	[tilespmem:$0xC680] =	vst v63  }
.LBB2_10:
0x7b: {  	p0 =	sne.s32 s28, $0x9FC0;
	[tilespmem:s29+$0x9E80] =	vst v7;
	s29 =	smov.u32 s28;
	s28 =	sadd.s32 $0x40, s28  }
.Ltmp4:
0x7c: {  	(pc) =	sbr.rel @p0 .LBB2_10-.Ltmp4, $2  }
0x7d: {  	_ =	sdelay $0x2  }
0x7e: {  	s29 =	sshra.s32 s29, $0x2  }
0x7f: {  	[tilespmem:s29+$0x9E80] =	vst v7  }
0x80: {  	_ =	swait.ge [sflag:s19], $0x9E0  }
0x81: {  	[sflag:s19] =	ssyncset.done $0x0  }
0x82: {  	[sflag:s19] =	ssyncadd.s32 $0xFFFFF620  }
0x83: {  	_ =	swait.ge [sflag:s20], $0x9E0  }
0x84: {  	[sflag:s20] =	ssyncset.done $0x0  }
0x85: {  	[sflag:s20] =	ssyncadd.s32 $0xFFFFF620  }
0x86: {  	_ =	swait.ge [sflag:s21], $0x9E0  }
0x87: {  	[sflag:s21] =	ssyncset.done $0x0  }
0x88: {  	[sflag:s21] =	ssyncadd.s32 $0xFFFFF620  }
0x89: {  	s26 =	sadd.s32 $0x1, s26;
	_ =	swait.ge [sflag:s22], $0x9E0  }
0x8a: {  	p0 =	sne.s32 s26, s7;
	[sflag:s22] =	ssyncset.done $0x0  }
.Ltmp5:
0x8b: {  	[sflag:s22] =	ssyncadd.s32 $0xFFFFF620;
	(pc) =	sbr.rel @p0 .LBB2_1-.Ltmp5, $4  }
0x8c: {  	[hbm4b:s6+s23] =	stream.strided.scatter [tilespmem:s25], [sflag:$0x5], $0x2800, s24, s23, $0x38;
	[tilespmem:$0xC680] =	vst v63  }
0x8d: {  	_ =	swait.ge [sflag:s8], $0x2800  }
0x8e: {  	[sflag:s8] =	ssyncset.done $0x0  }
0x8f: {  	[sflag:s8] =	ssyncadd.s32 $0xFFFFD800  }
0x90: {  	_ =	sfence.sel $0x180000  }
0x91: {  	[bflag:$0x0] =	sbarrier.arrive $0xFFFF  }
0x92: {  	p0 =	sne.s32 s0, $0x0;
	_ =	strace $0x9000004A  }
0x93: {  	s0 =	sadd.s32 @!p0 $0x100000, s1;
	[bflag:$0x2] =	sbarrier.arrive $0xFFFF  }
0x94: {  	[sflag:s0] =	ssyncadd.tile.s32 @!p0 $0x1;
	_ =	shalt  }
.Lfunc_end2:
_tile_overlayer_lowered:
.L_overlay_start_2:
0x95: {  	(tag) =	ssettag $0x2  }
0x96: {  	s0 =	rddreg [dreg:$0x0];
	s2 =	stileid.u32  }
0x97: {  	s1 =	rddreg [dreg:$0x1];
	p0 =	sne.s32 s2, $0x0  }
0x98: {  	s3 =	rddreg [dreg:$0x2];
	[bflag:$0x3] =	sbarrier.arrive $0xFFFF;
	s2 =	simm.s32 @!p0 $0x1C05  }
0x99: {  	[timem:s3], [sflag:s2] =	dma.local @!p0 [hbm:s0], s1  }
0x9a: {  	s0 =	simm.s32 @!p0 $0x5  }
0x9b: {  	_ =	swait.ge @!p0 [sflag:s0], s1  }
0x9c: {  	s1 =	ssub.s32 @!p0 $0x0, s1;
	[sflag:s0] =	ssyncset.done @!p0 $0x0  }
0x9d: {  	[sflag:s0] =	ssyncadd.s32 @!p0 s1  }
0x9e: {  	[bflag:$0x3] =	sbarrier.arrive $0xFFFF  }
0x9f: {  	_ =	shalt  }

</sc_bundles>
